<compile_context>
chip_gen: v7x
topology: tpu7x:2x2x1
jax: 0.10.2.dev20260603
libtpu: 0.0.44.dev20260713+nightly
codegen_flags: <defaults>
</compile_context>

<pallas_src>
import functools

import jax
import jax.numpy as jnp
from jax import lax
from jax.experimental import pallas as pl
from jax.experimental.pallas import tpu as pltpu
from jax.experimental.pallas import tpu_sc as plsc

N = 10000
E = 320000
D = 128
NPAD = 10240
EPAD = 327680
NT = 16
CH = 128
K = EPAD // (NT * CH)
NPT = NPAD // NT

_mesh1 = plsc.VectorSubcoreMesh(core_axis_name="c", subcore_axis_name="s",
                                num_cores=1)
_mesh2 = plsc.VectorSubcoreMesh(core_axis_name="c", subcore_axis_name="s",
                                num_cores=2)


@functools.partial(
    pl.kernel,
    out_type=jax.ShapeDtypeStruct((NPAD,), jnp.float32),
    mesh=_mesh1,
    scratch_types=[
        pltpu.VMEM_SHARED((NPAD,), jnp.float32),
        pltpu.VMEM((K, CH), jnp.int32),
        pltpu.VMEM((CH,), jnp.float32),
    ],
)
def _sc_deg(dst_hbm, zeros_hbm, deg_hbm, deg_sh, dstb, onesb):
    s = lax.axis_index("s")
    rsl = pl.ds(s * NPT, NPT)
    pltpu.sync_copy(zeros_hbm.at[rsl], deg_sh.at[rsl])
    pltpu.sync_copy(dst_hbm.at[s], dstb)

    def fill(i, carry):
        onesb[pl.ds(i * 16, 16)] = jnp.full((16,), 1.0, jnp.float32)
        return carry

    lax.fori_loop(0, CH // 16, fill, 0)
    plsc.subcore_barrier()

    def body(j, carry):
        pltpu.sync_copy(onesb, deg_sh.at[dstb.at[j]], add=True)
        return carry

    lax.fori_loop(0, K, body, 0)
    plsc.subcore_barrier()
    pltpu.sync_copy(deg_sh.at[rsl], deg_hbm.at[rsl])


def _tc_b_body(x_ref, w1_ref, deg_ref, dis_ref, hh_ref):
    dis = lax.rsqrt(deg_ref[...] + 1.0)
    dis_ref[...] = dis
    h = jnp.dot(x_ref[...], w1_ref[...], preferred_element_type=jnp.float32)
    hh_ref[...] = h * dis


def _tc_b(x_p, W1, deg2):
    return pl.pallas_call(
        _tc_b_body,
        out_shape=(jax.ShapeDtypeStruct((NPAD, 1), jnp.float32),
                   jax.ShapeDtypeStruct((NPAD, 16), jnp.float32)),
    )(x_p, W1, deg2)


@functools.partial(
    pl.kernel,
    out_type=(jax.ShapeDtypeStruct((NPAD, 8), jnp.float32),
              jax.ShapeDtypeStruct((NPAD, 8), jnp.float32)),
    mesh=_mesh2,
    scratch_types=[
        pltpu.VMEM_SHARED((NPAD, 8), jnp.float32),
        pltpu.VMEM_SHARED((NPAD, 8), jnp.float32),
        pltpu.VMEM((K, CH), jnp.int32),
        pltpu.VMEM((K, CH), jnp.int32),
        pltpu.VMEM((CH, 8), jnp.float32),
    ],
)
def _sc_prop16(hh_lo, hh_hi, src_hbm, dst_hbm, zeros_hbm, acc_lo, acc_hi,
               hh_sh, acc_sh, srcb, dstb, rows):
    c = lax.axis_index("c")
    s = lax.axis_index("s")
    rsl = pl.ds(s * NPT, NPT)

    @pl.when(c == 0)
    def _():
        pltpu.sync_copy(hh_lo.at[rsl], hh_sh.at[rsl])

    @pl.when(c == 1)
    def _():
        pltpu.sync_copy(hh_hi.at[rsl], hh_sh.at[rsl])

    pltpu.sync_copy(zeros_hbm.at[rsl], acc_sh.at[rsl])
    pltpu.sync_copy(src_hbm.at[s], srcb)
    pltpu.sync_copy(dst_hbm.at[s], dstb)
    plsc.subcore_barrier()

    def body(j, carry):
        pltpu.sync_copy(hh_sh.at[srcb.at[j]], rows)
        pltpu.sync_copy(rows, acc_sh.at[dstb.at[j]], add=True)
        return carry

    lax.fori_loop(0, K, body, 0)
    plsc.subcore_barrier()

    @pl.when(c == 0)
    def _():
        pltpu.sync_copy(acc_sh.at[rsl], acc_lo.at[rsl])

    @pl.when(c == 1)
    def _():
        pltpu.sync_copy(acc_sh.at[rsl], acc_hi.at[rsl])


def _tc_d_body(acc_ref, hh_ref, dis_ref, b1_ref, w2_ref, b2_ref, w3_ref,
               b3_ref, wfc_ref, bfc_ref, u_ref, bc_ref):
    w3f = jnp.dot(w3_ref[...], wfc_ref[...],
                  preferred_element_type=jnp.float32)
    wc = jnp.dot(w2_ref[...], w3f, preferred_element_type=jnp.float32)
    beta = jnp.dot(b2_ref[...], w3f, preferred_element_type=jnp.float32)
    cc = jnp.dot(b3_ref[...], wfc_ref[...],
                 preferred_element_type=jnp.float32) + bfc_ref[...]
    dis = dis_ref[...]
    h1 = jnp.maximum((acc_ref[...] + hh_ref[...]) * dis + b1_ref[...], 0.0)
    u = jnp.dot(h1, wc, preferred_element_type=jnp.float32)
    u_ref[...] = u * dis
    bc_ref[...] = jnp.concatenate(
        [jnp.broadcast_to(beta, (4, 16)), jnp.broadcast_to(cc, (4, 16))],
        axis=0)


def _tc_d(acc, hh, dis2, b1, W2, b2, W3, b3, Wfc, bfc):
    return pl.pallas_call(
        _tc_d_body,
        out_shape=(jax.ShapeDtypeStruct((NPAD, 1), jnp.float32),
                   jax.ShapeDtypeStruct((8, 16), jnp.float32)),
    )(acc, hh, dis2, b1, W2, b2, W3, b3, Wfc, bfc)


@functools.partial(
    pl.kernel,
    out_type=jax.ShapeDtypeStruct((NPAD,), jnp.float32),
    mesh=_mesh1,
    scratch_types=[
        pltpu.VMEM_SHARED((NPAD,), jnp.float32),
        pltpu.VMEM_SHARED((NPAD,), jnp.float32),
        pltpu.VMEM_SHARED((NPAD,), jnp.float32),
        pltpu.VMEM((K, CH), jnp.int32),
        pltpu.VMEM((K, CH), jnp.int32),
        pltpu.VMEM((CH,), jnp.float32),
        pltpu.VMEM((NPT,), jnp.float32),
        pltpu.VMEM((NPT,), jnp.float32),
        pltpu.VMEM((NPT,), jnp.float32),
        pltpu.VMEM((16,), jnp.float32),
        pltpu.VMEM((16,), jnp.float32),
    ],
)
def _sc_prop1(u_hbm, dis_hbm, src_hbm, dst_hbm, zeros_hbm, beta_hbm, c_hbm,
              out_hbm, u_sh, a1_sh, a2_sh, srcb, dstb, vals, accw, uw, disw,
              betab, cb):
    s = lax.axis_index("s")
    rsl = pl.ds(s * NPT, NPT)
    pltpu.sync_copy(u_hbm.at[rsl], u_sh.at[rsl])
    pltpu.sync_copy(zeros_hbm.at[rsl], a1_sh.at[rsl])
    pltpu.sync_copy(zeros_hbm.at[rsl], a2_sh.at[rsl])
    pltpu.sync_copy(src_hbm.at[s], srcb)
    pltpu.sync_copy(dst_hbm.at[s], dstb)
    pltpu.sync_copy(dis_hbm.at[rsl], disw)
    pltpu.sync_copy(beta_hbm, betab)
    pltpu.sync_copy(c_hbm, cb)
    plsc.subcore_barrier()

    def body1(j, carry):
        pltpu.sync_copy(u_sh.at[srcb.at[j]], vals)
        pltpu.sync_copy(vals, a1_sh.at[dstb.at[j]], add=True)
        return carry

    lax.fori_loop(0, K, body1, 0)
    plsc.subcore_barrier()

    pltpu.sync_copy(a1_sh.at[rsl], accw)
    pltpu.sync_copy(u_sh.at[rsl], uw)

    def ew1(i, carry):
        ii = pl.ds(i * 16, 16)
        d = disw[ii]
        accw[ii] = ((accw[ii] + uw[ii]) * d + betab[...]) * d
        return carry

    lax.fori_loop(0, NPT // 16, ew1, 0)
    plsc.subcore_barrier()
    pltpu.sync_copy(accw, u_sh.at[rsl])
    plsc.subcore_barrier()

    def body2(j, carry):
        pltpu.sync_copy(u_sh.at[srcb.at[j]], vals)
        pltpu.sync_copy(vals, a2_sh.at[dstb.at[j]], add=True)
        return carry

    lax.fori_loop(0, K, body2, 0)
    plsc.subcore_barrier()

    pltpu.sync_copy(a2_sh.at[rsl], accw)
    pltpu.sync_copy(u_sh.at[rsl], uw)

    def ew2(i, carry):
        ii = pl.ds(i * 16, 16)
        uw[ii] = (accw[ii] + uw[ii]) * disw[ii] + cb[...]
        return carry

    lax.fori_loop(0, NPT // 16, ew2, 0)
    pltpu.sync_copy(uw, out_hbm.at[rsl])


def kernel(x, edge_index, W1, b1, W2, b2, W3, b3, Wfc, bfc):
    src = edge_index[0].astype(jnp.int32)
    dst = edge_index[1].astype(jnp.int32)
    x_p = jnp.pad(x, ((0, NPAD - N), (0, 0)))
    pad_idx = jnp.full((EPAD - E,), NPAD - 1, jnp.int32)
    src_p = jnp.concatenate([src, pad_idx]).reshape(NT, K, CH)
    dst_p = jnp.concatenate([dst, pad_idx]).reshape(NT, K, CH)
    zeros1 = jnp.zeros((NPAD,), jnp.float32)
    zeros8 = jnp.zeros((NPAD, 8), jnp.float32)

    deg = _sc_deg(dst_p, zeros1)
    dis2, hh = _tc_b(x_p, W1, deg.reshape(NPAD, 1))
    acc_lo, acc_hi = _sc_prop16(hh[:, :8], hh[:, 8:], src_p, dst_p, zeros8)
    acc = jnp.concatenate([acc_lo, acc_hi], axis=1)
    uhat, bc = _tc_d(acc, hh, dis2, b1.reshape(1, 16), W2, b2.reshape(1, 32),
                     W3, b3.reshape(1, 64), Wfc, bfc.reshape(1, 1))
    outv = _sc_prop1(uhat.reshape(NPAD), dis2.reshape(NPAD), src_p, dst_p,
                     zeros1, bc[0], bc[4])
    return outv[:N].reshape(N, 1)

# --- scband reference (transcript-rebuilt; emitter-appended) ---
"""Pipeline reference for scband-brain-gcn-15934328668455 (READ-ONLY COPY).

The authoritative reference and input builder live on the scoring server;
editing this copy changes nothing except your own understanding.
"""

import jax, jax.numpy as jnp
import numpy as np

N_NODES = 10000
N_EDGES = 320000
D_FEAT = 128


def gcn_conv(x, src, dst, W, b):
    # PyG GCNConv: add self-loops, symmetric normalization, linear transform, sum-aggregate, bias
    n = x.shape[0]
    loop = jnp.arange(n, dtype=src.dtype)
    s = jnp.concatenate([src, loop])
    d = jnp.concatenate([dst, loop])
    deg = jnp.zeros((n,), dtype=x.dtype).at[d].add(1.0)
    deg_inv_sqrt = jnp.where(deg > 0, deg ** -0.5, 0.0)
    norm = deg_inv_sqrt[s] * deg_inv_sqrt[d]
    h = x @ W
    msg = h[s] * norm[:, None]
    out = jnp.zeros((n, W.shape[1]), dtype=x.dtype).at[d].add(msg)
    return out + b


def setup_inputs(seed: int = 0) -> dict:
    key = jax.random.key(seed)
    ks = jax.random.split(key, 12)
    x = jax.random.normal(ks[0], (N_NODES, D_FEAT), dtype=jnp.float32)
    edge_index = jax.random.randint(ks[1], (2, N_EDGES), 0, N_NODES, dtype=jnp.int64)
    def glorot(k, fan_in, fan_out):
        lim = (6.0 / (fan_in + fan_out)) ** 0.5
        return jax.random.uniform(k, (fan_in, fan_out), minval=-lim, maxval=lim, dtype=jnp.float32)
    W1 = glorot(ks[2], D_FEAT, 16); b1 = jnp.zeros((16,), dtype=jnp.float32)
    W2 = glorot(ks[3], 16, 32); b2 = jnp.zeros((32,), dtype=jnp.float32)
    W3 = glorot(ks[4], 32, 64); b3 = jnp.zeros((64,), dtype=jnp.float32)
    Wfc = glorot(ks[5], 64, 1); bfc = jnp.zeros((1,), dtype=jnp.float32)
    return {"x": x, "edge_index": edge_index, "W1": W1, "b1": b1, "W2": W2, "b2": b2, "W3": W3, "b3": b3, "Wfc": Wfc, "bfc": bfc}


def reference(x, edge_index, W1, b1, W2, b2, W3, b3, Wfc, bfc):
    src, dst = edge_index[0], edge_index[1]
    h = gcn_conv(x, src, dst, W1, b1)
    h = jax.nn.relu(h)
    # dropout is identity in eval mode
    h = gcn_conv(h, src, dst, W2, b2)
    h = gcn_conv(h, src, dst, W3, b3)
    out = h @ Wfc + bfc
    return out

if __name__ == "__main__":
    import jax
    _d = setup_inputs()
    print(jax.jit(kernel)(*tuple(_d.values())))

</pallas_src>

<mosaic_0001>
#map = affine_map<(d0, d1) -> (0, 0, 0)>
#map1 = affine_map<(d0, d1) -> (0)>
module attributes {stable_mosaic.version = 14 : i64} {
  func.func @_sc_deg(%arg0: i32, %arg1: i32, %arg2: memref<16x160x128xi32, #tpu.memory_space<hbm>>, %arg3: memref<10240xf32, #tpu.memory_space<hbm>>, %arg4: memref<10240xf32, #tpu.memory_space<hbm>>, %arg5: memref<10240xf32, #tpu.memory_space<vmem_shared>>, %arg6: memref<160x128xi32, #tpu.memory_space<vmem>>, %arg7: memref<128xf32, #tpu.memory_space<vmem>>) attributes {dimension_semantics = [#tpu.dimension_semantics<core_parallel>, #tpu.dimension_semantics<subcore_parallel>], iteration_bounds = array<i64: 1, 16>, scalar_prefetch = 0 : i64, scratch_operands = 3 : i64, tpu.core_type = #tpu.core_type<sc_vector_subcore>, window_params = [{transform_indices = #map}, {transform_indices = #map1}, {transform_indices = #map1}]} {
    %mul3A = arith.constant 640 : i32
    %mul3A_0 = arith.muli %arg1, %mul3A : i32
    "tpu.region"() ({
      %run_scoped3A = tpu.sem_alloc : memref<!tpu.dma_semaphore, #tpu.memory_space<semaphore_mem>>
      %dma_start3A = tpu.memref_slice %arg5[%mul3A_0] : memref<10240xf32, #tpu.memory_space<vmem_shared>> -> memref<640xf32, #tpu.memory_space<vmem_shared>>
      %dma_start3A_13 = tpu.memref_slice %arg3[%mul3A_0] : memref<10240xf32, #tpu.memory_space<hbm>> -> memref<640xf32, #tpu.memory_space<hbm>>
      tpu.enqueue_dma source(%dma_start3A_13 : memref<640xf32, #tpu.memory_space<hbm>>) target(%dma_start3A : memref<640xf32, #tpu.memory_space<vmem_shared>>) target_semaphore(%run_scoped3A : memref<!tpu.dma_semaphore, #tpu.memory_space<semaphore_mem>>)
      %dma_wait3A = tpu.memref_slice %arg5[%mul3A_0] : memref<10240xf32, #tpu.memory_space<vmem_shared>> -> memref<640xf32, #tpu.memory_space<vmem_shared>>
      %dma_wait3A_14 = tpu.memref_slice %arg3[%mul3A_0] : memref<10240xf32, #tpu.memory_space<hbm>> -> memref<640xf32, #tpu.memory_space<hbm>>
      tpu.wait_dma2 semaphore(%run_scoped3A : memref<!tpu.dma_semaphore, #tpu.memory_space<semaphore_mem>>) src(%dma_wait3A_14 : memref<640xf32, #tpu.memory_space<hbm>>) dst(%dma_wait3A : memref<640xf32, #tpu.memory_space<vmem_shared>>)
      tpu.yield
    }) : () -> ()
    "tpu.region"() ({
      %run_scoped3A = tpu.sem_alloc : memref<!tpu.dma_semaphore, #tpu.memory_space<semaphore_mem>>
      %dma_start3A = arith.constant 0 : i32
      %dma_start3A_13 = arith.constant 0 : i32
      %dma_start3A_14 = tpu.memref_slice %arg2[%arg1, %dma_start3A, %dma_start3A_13] : memref<16x160x128xi32, #tpu.memory_space<hbm>> -> memref<1x160x128xi32, #tpu.memory_space<hbm>>
      %dma_start3A_15 = tpu.memref_squeeze %dma_start3A_14 : memref<1x160x128xi32, #tpu.memory_space<hbm>> -> memref<160x128xi32, #tpu.memory_space<hbm>>
      %dma_start3A_16 = arith.constant 0 : i32
      %dma_start3A_17 = arith.constant 0 : i32
      %dma_start3A_18 = tpu.memref_slice %arg2[%arg1, %dma_start3A_16, %dma_start3A_17] : memref<16x160x128xi32, #tpu.memory_space<hbm>> -> memref<1x160x128xi32, #tpu.memory_space<hbm>>
      %dma_start3A_19 = tpu.memref_squeeze %dma_start3A_18 : memref<1x160x128xi32, #tpu.memory_space<hbm>> -> memref<160x128xi32, #tpu.memory_space<hbm>>
      tpu.enqueue_dma source(%dma_start3A_19 : memref<160x128xi32, #tpu.memory_space<hbm>>) target(%arg6 : memref<160x128xi32, #tpu.memory_space<vmem>>) target_semaphore(%run_scoped3A : memref<!tpu.dma_semaphore, #tpu.memory_space<semaphore_mem>>)
      %dma_wait3A = arith.constant 0 : i32
      %dma_wait3A_20 = arith.constant 0 : i32
      %dma_wait3A_21 = tpu.memref_slice %arg2[%arg1, %dma_wait3A, %dma_wait3A_20] : memref<16x160x128xi32, #tpu.memory_space<hbm>> -> memref<1x160x128xi32, #tpu.memory_space<hbm>>
      %dma_wait3A_22 = tpu.memref_squeeze %dma_wait3A_21 : memref<1x160x128xi32, #tpu.memory_space<hbm>> -> memref<160x128xi32, #tpu.memory_space<hbm>>
      %dma_wait3A_23 = arith.constant 0 : i32
      %dma_wait3A_24 = arith.constant 0 : i32
      %dma_wait3A_25 = tpu.memref_slice %arg2[%arg1, %dma_wait3A_23, %dma_wait3A_24] : memref<16x160x128xi32, #tpu.memory_space<hbm>> -> memref<1x160x128xi32, #tpu.memory_space<hbm>>
      %dma_wait3A_26 = tpu.memref_squeeze %dma_wait3A_25 : memref<1x160x128xi32, #tpu.memory_space<hbm>> -> memref<160x128xi32, #tpu.memory_space<hbm>>
      tpu.wait_dma2 semaphore(%run_scoped3A : memref<!tpu.dma_semaphore, #tpu.memory_space<semaphore_mem>>) src(%dma_wait3A_26 : memref<160x128xi32, #tpu.memory_space<hbm>>) dst(%arg6 : memref<160x128xi32, #tpu.memory_space<vmem>>)
      tpu.yield
    }) : () -> ()
    %scan3A = arith.constant 0 : i32
    %scan3A_1 = arith.constant 0 : i32
    %scan3A_2 = arith.constant 8 : i32
    %scan3A_3 = arith.addi %scan3A_1, %scan3A_2 : i32
    %scan3A_4 = arith.constant 1 : i32
    scf.for %scan3A_13 = %scan3A_1 to %scan3A_3 step %scan3A_4  : i32 {
      %broadcast_in_dim3A = arith.constant 1.000000e+00 : f32
      %broadcast_in_dim3A_14 = vector.broadcast %broadcast_in_dim3A : f32 to vector<16xf32>
      %mul3A_15 = arith.constant 16 : i32
      %mul3A_16 = arith.muli %scan3A_13, %mul3A_15 : i32
      %swap3A = arith.index_cast %mul3A_16 : i32 to index
      %swap3A_17 = tpu.vector_load %arg7[%swap3A] {strides = array<i32>} : memref<128xf32, #tpu.memory_space<vmem>>, vector<16xf32>,
      %swap3A_18 = vector.shape_cast %swap3A_17 : vector<16xf32> to vector<16xf32>
      %swap3A_19 = vector.shape_cast %broadcast_in_dim3A_14 : vector<16xf32> to vector<16xf32>
      tpu.vector_store %arg7[%swap3A], %swap3A_19 {strides = array<i32>} : memref<128xf32, #tpu.memory_space<vmem>>, vector<16xf32>,
    }
    %scan3A_5 = arith.constant 8 : i32
    %barrier3A = arith.constant 0 : index
    tpu.barrier barrier_id(%barrier3A)
    %scan3A_6 = arith.constant 0 : i32
    %scan3A_7 = arith.constant 0 : i32
    %scan3A_8 = arith.constant 160 : i32
    %scan3A_9 = arith.addi %scan3A_7, %scan3A_8 : i32
    %scan3A_10 = arith.constant 1 : i32
    scf.for %scan3A_13 = %scan3A_7 to %scan3A_9 step %scan3A_10  : i32 {
      "tpu.region"() ({
        %run_scoped3A = tpu.sem_alloc : memref<!tpu.dma_semaphore, #tpu.memory_space<semaphore_mem>>
        %dma_start3A = arith.constant 0 : i32
        %dma_start3A_14 = tpu.memref_slice %arg6[%scan3A_13, %dma_start3A] : memref<160x128xi32, #tpu.memory_space<vmem>> -> memref<1x128xi32, #tpu.memory_space<vmem>>
        %dma_start3A_15 = tpu.memref_squeeze %dma_start3A_14 : memref<1x128xi32, #tpu.memory_space<vmem>> -> memref<128xi32, #tpu.memory_space<vmem>>
        %dma_start3A_16 = arith.constant 0 : i32
        %dma_start3A_17 = tpu.memref_slice %arg5[%dma_start3A_16] : memref<10240xf32, #tpu.memory_space<vmem_shared>> -> memref<10240xf32, #tpu.memory_space<vmem_shared>>
        tpu.enqueue_indirect_dma source(%arg7 : memref<128xf32, #tpu.memory_space<vmem>>) target(%dma_start3A_17 : memref<10240xf32, #tpu.memory_space<vmem_shared>>) offsets(%dma_start3A_15 : memref<128xi32, #tpu.memory_space<vmem>>) semaphore(%run_scoped3A : memref<!tpu.dma_semaphore, #tpu.memory_space<semaphore_mem>>) {add = true}
        %dma_wait3A = arith.constant 0 : i32
        %dma_wait3A_18 = tpu.memref_slice %arg6[%scan3A_13, %dma_wait3A] : memref<160x128xi32, #tpu.memory_space<vmem>> -> memref<1x128xi32, #tpu.memory_space<vmem>>
        %dma_wait3A_19 = tpu.memref_squeeze %dma_wait3A_18 : memref<1x128xi32, #tpu.memory_space<vmem>> -> memref<128xi32, #tpu.memory_space<vmem>>
        %dma_wait3A_20 = arith.constant 0 : i32
        %dma_wait3A_21 = tpu.memref_slice %arg5[%dma_wait3A_20] : memref<10240xf32, #tpu.memory_space<vmem_shared>> -> memref<10240xf32, #tpu.memory_space<vmem_shared>>
        tpu.wait_indirect_dma semaphore(%run_scoped3A : memref<!tpu.dma_semaphore, #tpu.memory_space<semaphore_mem>>) src(%arg7 : memref<128xf32, #tpu.memory_space<vmem>>) dst(%dma_wait3A_21 : memref<10240xf32, #tpu.memory_space<vmem_shared>>)
        tpu.yield
      }) : () -> ()
    }
    %scan3A_11 = arith.constant 160 : i32
    %barrier3A_12 = arith.constant 0 : index
    tpu.barrier barrier_id(%barrier3A_12)
    "tpu.region"() ({
      %run_scoped3A = tpu.sem_alloc : memref<!tpu.dma_semaphore, #tpu.memory_space<semaphore_mem>>
      %dma_start3A = tpu.memref_slice %arg4[%mul3A_0] : memref<10240xf32, #tpu.memory_space<hbm>> -> memref<640xf32, #tpu.memory_space<hbm>>
      %dma_start3A_13 = tpu.memref_slice %arg5[%mul3A_0] : memref<10240xf32, #tpu.memory_space<vmem_shared>> -> memref<640xf32, #tpu.memory_space<vmem_shared>>
      tpu.enqueue_dma source(%dma_start3A_13 : memref<640xf32, #tpu.memory_space<vmem_shared>>) target(%dma_start3A : memref<640xf32, #tpu.memory_space<hbm>>) target_semaphore(%run_scoped3A : memref<!tpu.dma_semaphore, #tpu.memory_space<semaphore_mem>>)
      %dma_wait3A = tpu.memref_slice %arg4[%mul3A_0] : memref<10240xf32, #tpu.memory_space<hbm>> -> memref<640xf32, #tpu.memory_space<hbm>>
      %dma_wait3A_14 = tpu.memref_slice %arg5[%mul3A_0] : memref<10240xf32, #tpu.memory_space<vmem_shared>> -> memref<640xf32, #tpu.memory_space<vmem_shared>>
      tpu.wait_dma2 semaphore(%run_scoped3A : memref<!tpu.dma_semaphore, #tpu.memory_space<semaphore_mem>>) src(%dma_wait3A_14 : memref<640xf32, #tpu.memory_space<vmem_shared>>) dst(%dma_wait3A : memref<640xf32, #tpu.memory_space<hbm>>)
      tpu.yield
    }) : () -> ()
    return
  }
}

#map = affine_map<(d0, d1) -> (0)>
#map1 = affine_map<(d0, d1) -> (0, 0, 0)>
module attributes {stable_mosaic.version = 14 : i64} {
  func.func @_sc_prop1(%arg0: i32, %arg1: i32, %arg2: memref<10240xf32, #tpu.memory_space<hbm>>, %arg3: memref<10240xf32, #tpu.memory_space<hbm>>, %arg4: memref<16x160x128xi32, #tpu.memory_space<hbm>>, %arg5: memref<16x160x128xi32, #tpu.memory_space<hbm>>, %arg6: memref<10240xf32, #tpu.memory_space<hbm>>, %arg7: memref<16xf32, #tpu.memory_space<hbm>>, %arg8: memref<16xf32, #tpu.memory_space<hbm>>, %arg9: memref<10240xf32, #tpu.memory_space<hbm>>, %arg10: memref<10240xf32, #tpu.memory_space<vmem_shared>>, %arg11: memref<10240xf32, #tpu.memory_space<vmem_shared>>, %arg12: memref<10240xf32, #tpu.memory_space<vmem_shared>>, %arg13: memref<160x128xi32, #tpu.memory_space<vmem>>, %arg14: memref<160x128xi32, #tpu.memory_space<vmem>>, %arg15: memref<128xf32, #tpu.memory_space<vmem>>, %arg16: memref<640xf32, #tpu.memory_space<vmem>>, %arg17: memref<640xf32, #tpu.memory_space<vmem>>, %arg18: memref<640xf32, #tpu.memory_space<vmem>>, %arg19: memref<16xf32, #tpu.memory_space<vmem>>, %arg20: memref<16xf32, #tpu.memory_space<vmem>>) attributes {dimension_semantics = [#tpu.dimension_semantics<core_parallel>, #tpu.dimension_semantics<subcore_parallel>], iteration_bounds = array<i64: 1, 16>, scalar_prefetch = 0 : i64, scratch_operands = 11 : i64, tpu.core_type = #tpu.core_type<sc_vector_subcore>, window_params = [{transform_indices = #map}, {transform_indices = #map}, {transform_indices = #map1}, {transform_indices = #map1}, {transform_indices = #map}, {transform_indices = #map}, {transform_indices = #map}, {transform_indices = #map}]} {
    %mul3A = arith.constant 640 : i32
    %mul3A_0 = arith.muli %arg1, %mul3A : i32
    "tpu.region"() ({
      %run_scoped3A = tpu.sem_alloc : memref<!tpu.dma_semaphore, #tpu.memory_space<semaphore_mem>>
      %dma_start3A = tpu.memref_slice %arg10[%mul3A_0] : memref<10240xf32, #tpu.memory_space<vmem_shared>> -> memref<640xf32, #tpu.memory_space<vmem_shared>>
      %dma_start3A_28 = tpu.memref_slice %arg2[%mul3A_0] : memref<10240xf32, #tpu.memory_space<hbm>> -> memref<640xf32, #tpu.memory_space<hbm>>
      tpu.enqueue_dma source(%dma_start3A_28 : memref<640xf32, #tpu.memory_space<hbm>>) target(%dma_start3A : memref<640xf32, #tpu.memory_space<vmem_shared>>) target_semaphore(%run_scoped3A : memref<!tpu.dma_semaphore, #tpu.memory_space<semaphore_mem>>)
      %dma_wait3A = tpu.memref_slice %arg10[%mul3A_0] : memref<10240xf32, #tpu.memory_space<vmem_shared>> -> memref<640xf32, #tpu.memory_space<vmem_shared>>
      %dma_wait3A_29 = tpu.memref_slice %arg2[%mul3A_0] : memref<10240xf32, #tpu.memory_space<hbm>> -> memref<640xf32, #tpu.memory_space<hbm>>
      tpu.wait_dma2 semaphore(%run_scoped3A : memref<!tpu.dma_semaphore, #tpu.memory_space<semaphore_mem>>) src(%dma_wait3A_29 : memref<640xf32, #tpu.memory_space<hbm>>) dst(%dma_wait3A : memref<640xf32, #tpu.memory_space<vmem_shared>>)
      tpu.yield
    }) : () -> ()
    "tpu.region"() ({
      %run_scoped3A = tpu.sem_alloc : memref<!tpu.dma_semaphore, #tpu.memory_space<semaphore_mem>>
      %dma_start3A = tpu.memref_slice %arg11[%mul3A_0] : memref<10240xf32, #tpu.memory_space<vmem_shared>> -> memref<640xf32, #tpu.memory_space<vmem_shared>>
      %dma_start3A_28 = tpu.memref_slice %arg6[%mul3A_0] : memref<10240xf32, #tpu.memory_space<hbm>> -> memref<640xf32, #tpu.memory_space<hbm>>
      tpu.enqueue_dma source(%dma_start3A_28 : memref<640xf32, #tpu.memory_space<hbm>>) target(%dma_start3A : memref<640xf32, #tpu.memory_space<vmem_shared>>) target_semaphore(%run_scoped3A : memref<!tpu.dma_semaphore, #tpu.memory_space<semaphore_mem>>)
      %dma_wait3A = tpu.memref_slice %arg11[%mul3A_0] : memref<10240xf32, #tpu.memory_space<vmem_shared>> -> memref<640xf32, #tpu.memory_space<vmem_shared>>
      %dma_wait3A_29 = tpu.memref_slice %arg6[%mul3A_0] : memref<10240xf32, #tpu.memory_space<hbm>> -> memref<640xf32, #tpu.memory_space<hbm>>
      tpu.wait_dma2 semaphore(%run_scoped3A : memref<!tpu.dma_semaphore, #tpu.memory_space<semaphore_mem>>) src(%dma_wait3A_29 : memref<640xf32, #tpu.memory_space<hbm>>) dst(%dma_wait3A : memref<640xf32, #tpu.memory_space<vmem_shared>>)
      tpu.yield
    }) : () -> ()
    "tpu.region"() ({
      %run_scoped3A = tpu.sem_alloc : memref<!tpu.dma_semaphore, #tpu.memory_space<semaphore_mem>>
      %dma_start3A = tpu.memref_slice %arg12[%mul3A_0] : memref<10240xf32, #tpu.memory_space<vmem_shared>> -> memref<640xf32, #tpu.memory_space<vmem_shared>>
      %dma_start3A_28 = tpu.memref_slice %arg6[%mul3A_0] : memref<10240xf32, #tpu.memory_space<hbm>> -> memref<640xf32, #tpu.memory_space<hbm>>
      tpu.enqueue_dma source(%dma_start3A_28 : memref<640xf32, #tpu.memory_space<hbm>>) target(%dma_start3A : memref<640xf32, #tpu.memory_space<vmem_shared>>) target_semaphore(%run_scoped3A : memref<!tpu.dma_semaphore, #tpu.memory_space<semaphore_mem>>)
      %dma_wait3A = tpu.memref_slice %arg12[%mul3A_0] : memref<10240xf32, #tpu.memory_space<vmem_shared>> -> memref<640xf32, #tpu.memory_space<vmem_shared>>
      %dma_wait3A_29 = tpu.memref_slice %arg6[%mul3A_0] : memref<10240xf32, #tpu.memory_space<hbm>> -> memref<640xf32, #tpu.memory_space<hbm>>
      tpu.wait_dma2 semaphore(%run_scoped3A : memref<!tpu.dma_semaphore, #tpu.memory_space<semaphore_mem>>) src(%dma_wait3A_29 : memref<640xf32, #tpu.memory_space<hbm>>) dst(%dma_wait3A : memref<640xf32, #tpu.memory_space<vmem_shared>>)
      tpu.yield
    }) : () -> ()
    "tpu.region"() ({
      %run_scoped3A = tpu.sem_alloc : memref<!tpu.dma_semaphore, #tpu.memory_space<semaphore_mem>>
      %dma_start3A = arith.constant 0 : i32
      %dma_start3A_28 = arith.constant 0 : i32
      %dma_start3A_29 = tpu.memref_slice %arg4[%arg1, %dma_start3A, %dma_start3A_28] : memref<16x160x128xi32, #tpu.memory_space<hbm>> -> memref<1x160x128xi32, #tpu.memory_space<hbm>>
      %dma_start3A_30 = tpu.memref_squeeze %dma_start3A_29 : memref<1x160x128xi32, #tpu.memory_space<hbm>> -> memref<160x128xi32, #tpu.memory_space<hbm>>
      %dma_start3A_31 = arith.constant 0 : i32
      %dma_start3A_32 = arith.constant 0 : i32
      %dma_start3A_33 = tpu.memref_slice %arg4[%arg1, %dma_start3A_31, %dma_start3A_32] : memref<16x160x128xi32, #tpu.memory_space<hbm>> -> memref<1x160x128xi32, #tpu.memory_space<hbm>>
      %dma_start3A_34 = tpu.memref_squeeze %dma_start3A_33 : memref<1x160x128xi32, #tpu.memory_space<hbm>> -> memref<160x128xi32, #tpu.memory_space<hbm>>
      tpu.enqueue_dma source(%dma_start3A_34 : memref<160x128xi32, #tpu.memory_space<hbm>>) target(%arg13 : memref<160x128xi32, #tpu.memory_space<vmem>>) target_semaphore(%run_scoped3A : memref<!tpu.dma_semaphore, #tpu.memory_space<semaphore_mem>>)
      %dma_wait3A = arith.constant 0 : i32
      %dma_wait3A_35 = arith.constant 0 : i32
      %dma_wait3A_36 = tpu.memref_slice %arg4[%arg1, %dma_wait3A, %dma_wait3A_35] : memref<16x160x128xi32, #tpu.memory_space<hbm>> -> memref<1x160x128xi32, #tpu.memory_space<hbm>>
      %dma_wait3A_37 = tpu.memref_squeeze %dma_wait3A_36 : memref<1x160x128xi32, #tpu.memory_space<hbm>> -> memref<160x128xi32, #tpu.memory_space<hbm>>
      %dma_wait3A_38 = arith.constant 0 : i32
      %dma_wait3A_39 = arith.constant 0 : i32
      %dma_wait3A_40 = tpu.memref_slice %arg4[%arg1, %dma_wait3A_38, %dma_wait3A_39] : memref<16x160x128xi32, #tpu.memory_space<hbm>> -> memref<1x160x128xi32, #tpu.memory_space<hbm>>
      %dma_wait3A_41 = tpu.memref_squeeze %dma_wait3A_40 : memref<1x160x128xi32, #tpu.memory_space<hbm>> -> memref<160x128xi32, #tpu.memory_space<hbm>>
      tpu.wait_dma2 semaphore(%run_scoped3A : memref<!tpu.dma_semaphore, #tpu.memory_space<semaphore_mem>>) src(%dma_wait3A_41 : memref<160x128xi32, #tpu.memory_space<hbm>>) dst(%arg13 : memref<160x128xi32, #tpu.memory_space<vmem>>)
      tpu.yield
    }) : () -> ()
    "tpu.region"() ({
      %run_scoped3A = tpu.sem_alloc : memref<!tpu.dma_semaphore, #tpu.memory_space<semaphore_mem>>
      %dma_start3A = arith.constant 0 : i32
      %dma_start3A_28 = arith.constant 0 : i32
      %dma_start3A_29 = tpu.memref_slice %arg5[%arg1, %dma_start3A, %dma_start3A_28] : memref<16x160x128xi32, #tpu.memory_space<hbm>> -> memref<1x160x128xi32, #tpu.memory_space<hbm>>
      %dma_start3A_30 = tpu.memref_squeeze %dma_start3A_29 : memref<1x160x128xi32, #tpu.memory_space<hbm>> -> memref<160x128xi32, #tpu.memory_space<hbm>>
      %dma_start3A_31 = arith.constant 0 : i32
      %dma_start3A_32 = arith.constant 0 : i32
      %dma_start3A_33 = tpu.memref_slice %arg5[%arg1, %dma_start3A_31, %dma_start3A_32] : memref<16x160x128xi32, #tpu.memory_space<hbm>> -> memref<1x160x128xi32, #tpu.memory_space<hbm>>
      %dma_start3A_34 = tpu.memref_squeeze %dma_start3A_33 : memref<1x160x128xi32, #tpu.memory_space<hbm>> -> memref<160x128xi32, #tpu.memory_space<hbm>>
      tpu.enqueue_dma source(%dma_start3A_34 : memref<160x128xi32, #tpu.memory_space<hbm>>) target(%arg14 : memref<160x128xi32, #tpu.memory_space<vmem>>) target_semaphore(%run_scoped3A : memref<!tpu.dma_semaphore, #tpu.memory_space<semaphore_mem>>)
      %dma_wait3A = arith.constant 0 : i32
      %dma_wait3A_35 = arith.constant 0 : i32
      %dma_wait3A_36 = tpu.memref_slice %arg5[%arg1, %dma_wait3A, %dma_wait3A_35] : memref<16x160x128xi32, #tpu.memory_space<hbm>> -> memref<1x160x128xi32, #tpu.memory_space<hbm>>
      %dma_wait3A_37 = tpu.memref_squeeze %dma_wait3A_36 : memref<1x160x128xi32, #tpu.memory_space<hbm>> -> memref<160x128xi32, #tpu.memory_space<hbm>>
      %dma_wait3A_38 = arith.constant 0 : i32
      %dma_wait3A_39 = arith.constant 0 : i32
      %dma_wait3A_40 = tpu.memref_slice %arg5[%arg1, %dma_wait3A_38, %dma_wait3A_39] : memref<16x160x128xi32, #tpu.memory_space<hbm>> -> memref<1x160x128xi32, #tpu.memory_space<hbm>>
      %dma_wait3A_41 = tpu.memref_squeeze %dma_wait3A_40 : memref<1x160x128xi32, #tpu.memory_space<hbm>> -> memref<160x128xi32, #tpu.memory_space<hbm>>
      tpu.wait_dma2 semaphore(%run_scoped3A : memref<!tpu.dma_semaphore, #tpu.memory_space<semaphore_mem>>) src(%dma_wait3A_41 : memref<160x128xi32, #tpu.memory_space<hbm>>) dst(%arg14 : memref<160x128xi32, #tpu.memory_space<vmem>>)
      tpu.yield
    }) : () -> ()
    "tpu.region"() ({
      %run_scoped3A = tpu.sem_alloc : memref<!tpu.dma_semaphore, #tpu.memory_space<semaphore_mem>>
      %dma_start3A = tpu.memref_slice %arg3[%mul3A_0] : memref<10240xf32, #tpu.memory_space<hbm>> -> memref<640xf32, #tpu.memory_space<hbm>>
      %dma_start3A_28 = tpu.memref_slice %arg3[%mul3A_0] : memref<10240xf32, #tpu.memory_space<hbm>> -> memref<640xf32, #tpu.memory_space<hbm>>
      tpu.enqueue_dma source(%dma_start3A_28 : memref<640xf32, #tpu.memory_space<hbm>>) target(%arg18 : memref<640xf32, #tpu.memory_space<vmem>>) target_semaphore(%run_scoped3A : memref<!tpu.dma_semaphore, #tpu.memory_space<semaphore_mem>>)
      %dma_wait3A = tpu.memref_slice %arg3[%mul3A_0] : memref<10240xf32, #tpu.memory_space<hbm>> -> memref<640xf32, #tpu.memory_space<hbm>>
      %dma_wait3A_29 = tpu.memref_slice %arg3[%mul3A_0] : memref<10240xf32, #tpu.memory_space<hbm>> -> memref<640xf32, #tpu.memory_space<hbm>>
      tpu.wait_dma2 semaphore(%run_scoped3A : memref<!tpu.dma_semaphore, #tpu.memory_space<semaphore_mem>>) src(%dma_wait3A_29 : memref<640xf32, #tpu.memory_space<hbm>>) dst(%arg18 : memref<640xf32, #tpu.memory_space<vmem>>)
      tpu.yield
    }) : () -> ()
    "tpu.region"() ({
      %run_scoped3A = tpu.sem_alloc : memref<!tpu.dma_semaphore, #tpu.memory_space<semaphore_mem>>
      tpu.enqueue_dma source(%arg7 : memref<16xf32, #tpu.memory_space<hbm>>) target(%arg19 : memref<16xf32, #tpu.memory_space<vmem>>) target_semaphore(%run_scoped3A : memref<!tpu.dma_semaphore, #tpu.memory_space<semaphore_mem>>)
      tpu.wait_dma2 semaphore(%run_scoped3A : memref<!tpu.dma_semaphore, #tpu.memory_space<semaphore_mem>>) src(%arg7 : memref<16xf32, #tpu.memory_space<hbm>>) dst(%arg19 : memref<16xf32, #tpu.memory_space<vmem>>)
      tpu.yield
    }) : () -> ()
    "tpu.region"() ({
      %run_scoped3A = tpu.sem_alloc : memref<!tpu.dma_semaphore, #tpu.memory_space<semaphore_mem>>
      tpu.enqueue_dma source(%arg8 : memref<16xf32, #tpu.memory_space<hbm>>) target(%arg20 : memref<16xf32, #tpu.memory_space<vmem>>) target_semaphore(%run_scoped3A : memref<!tpu.dma_semaphore, #tpu.memory_space<semaphore_mem>>)
      tpu.wait_dma2 semaphore(%run_scoped3A : memref<!tpu.dma_semaphore, #tpu.memory_space<semaphore_mem>>) src(%arg8 : memref<16xf32, #tpu.memory_space<hbm>>) dst(%arg20 : memref<16xf32, #tpu.memory_space<vmem>>)
      tpu.yield
    }) : () -> ()
    %barrier3A = arith.constant 0 : index
    tpu.barrier barrier_id(%barrier3A)
    %scan3A = arith.constant 0 : i32
    %scan3A_1 = arith.constant 0 : i32
    %scan3A_2 = arith.constant 160 : i32
    %scan3A_3 = arith.addi %scan3A_1, %scan3A_2 : i32
    %scan3A_4 = arith.constant 1 : i32
    scf.for %scan3A_28 = %scan3A_1 to %scan3A_3 step %scan3A_4  : i32 {
      "tpu.region"() ({
        %run_scoped3A = tpu.sem_alloc : memref<!tpu.dma_semaphore, #tpu.memory_space<semaphore_mem>>
        %dma_start3A = arith.constant 0 : i32
        %dma_start3A_29 = tpu.memref_slice %arg13[%scan3A_28, %dma_start3A] : memref<160x128xi32, #tpu.memory_space<vmem>> -> memref<1x128xi32, #tpu.memory_space<vmem>>
        %dma_start3A_30 = tpu.memref_squeeze %dma_start3A_29 : memref<1x128xi32, #tpu.memory_space<vmem>> -> memref<128xi32, #tpu.memory_space<vmem>>
        %dma_start3A_31 = arith.constant 0 : i32
        %dma_start3A_32 = tpu.memref_slice %arg10[%dma_start3A_31] : memref<10240xf32, #tpu.memory_space<vmem_shared>> -> memref<10240xf32, #tpu.memory_space<vmem_shared>>
        tpu.enqueue_indirect_dma source(%dma_start3A_32 : memref<10240xf32, #tpu.memory_space<vmem_shared>>) target(%arg15 : memref<128xf32, #tpu.memory_space<vmem>>) offsets(%dma_start3A_30 : memref<128xi32, #tpu.memory_space<vmem>>) semaphore(%run_scoped3A : memref<!tpu.dma_semaphore, #tpu.memory_space<semaphore_mem>>)
        %dma_wait3A = arith.constant 0 : i32
        %dma_wait3A_33 = tpu.memref_slice %arg13[%scan3A_28, %dma_wait3A] : memref<160x128xi32, #tpu.memory_space<vmem>> -> memref<1x128xi32, #tpu.memory_space<vmem>>
        %dma_wait3A_34 = tpu.memref_squeeze %dma_wait3A_33 : memref<1x128xi32, #tpu.memory_space<vmem>> -> memref<128xi32, #tpu.memory_space<vmem>>
        %dma_wait3A_35 = arith.constant 0 : i32
        %dma_wait3A_36 = tpu.memref_slice %arg10[%dma_wait3A_35] : memref<10240xf32, #tpu.memory_space<vmem_shared>> -> memref<10240xf32, #tpu.memory_space<vmem_shared>>
        tpu.wait_indirect_dma semaphore(%run_scoped3A : memref<!tpu.dma_semaphore, #tpu.memory_space<semaphore_mem>>) src(%dma_wait3A_36 : memref<10240xf32, #tpu.memory_space<vmem_shared>>) dst(%arg15 : memref<128xf32, #tpu.memory_space<vmem>>)
        tpu.yield
      }) : () -> ()
      "tpu.region"() ({
        %run_scoped3A = tpu.sem_alloc : memref<!tpu.dma_semaphore, #tpu.memory_space<semaphore_mem>>
        %dma_start3A = arith.constant 0 : i32
        %dma_start3A_29 = tpu.memref_slice %arg14[%scan3A_28, %dma_start3A] : memref<160x128xi32, #tpu.memory_space<vmem>> -> memref<1x128xi32, #tpu.memory_space<vmem>>
        %dma_start3A_30 = tpu.memref_squeeze %dma_start3A_29 : memref<1x128xi32, #tpu.memory_space<vmem>> -> memref<128xi32, #tpu.memory_space<vmem>>
        %dma_start3A_31 = arith.constant 0 : i32
        %dma_start3A_32 = tpu.memref_slice %arg11[%dma_start3A_31] : memref<10240xf32, #tpu.memory_space<vmem_shared>> -> memref<10240xf32, #tpu.memory_space<vmem_shared>>
        tpu.enqueue_indirect_dma source(%arg15 : memref<128xf32, #tpu.memory_space<vmem>>) target(%dma_start3A_32 : memref<10240xf32, #tpu.memory_space<vmem_shared>>) offsets(%dma_start3A_30 : memref<128xi32, #tpu.memory_space<vmem>>) semaphore(%run_scoped3A : memref<!tpu.dma_semaphore, #tpu.memory_space<semaphore_mem>>) {add = true}
        %dma_wait3A = arith.constant 0 : i32
        %dma_wait3A_33 = tpu.memref_slice %arg14[%scan3A_28, %dma_wait3A] : memref<160x128xi32, #tpu.memory_space<vmem>> -> memref<1x128xi32, #tpu.memory_space<vmem>>
        %dma_wait3A_34 = tpu.memref_squeeze %dma_wait3A_33 : memref<1x128xi32, #tpu.memory_space<vmem>> -> memref<128xi32, #tpu.memory_space<vmem>>
        %dma_wait3A_35 = arith.constant 0 : i32
        %dma_wait3A_36 = tpu.memref_slice %arg11[%dma_wait3A_35] : memref<10240xf32, #tpu.memory_space<vmem_shared>> -> memref<10240xf32, #tpu.memory_space<vmem_shared>>
        tpu.wait_indirect_dma semaphore(%run_scoped3A : memref<!tpu.dma_semaphore, #tpu.memory_space<semaphore_mem>>) src(%arg15 : memref<128xf32, #tpu.memory_space<vmem>>) dst(%dma_wait3A_36 : memref<10240xf32, #tpu.memory_space<vmem_shared>>)
        tpu.yield
      }) : () -> ()
    }
    %scan3A_5 = arith.constant 160 : i32
    %barrier3A_6 = arith.constant 0 : index
    tpu.barrier barrier_id(%barrier3A_6)
    "tpu.region"() ({
      %run_scoped3A = tpu.sem_alloc : memref<!tpu.dma_semaphore, #tpu.memory_space<semaphore_mem>>
      %dma_start3A = tpu.memref_slice %arg11[%mul3A_0] : memref<10240xf32, #tpu.memory_space<vmem_shared>> -> memref<640xf32, #tpu.memory_space<vmem_shared>>
      %dma_start3A_28 = tpu.memref_slice %arg11[%mul3A_0] : memref<10240xf32, #tpu.memory_space<vmem_shared>> -> memref<640xf32, #tpu.memory_space<vmem_shared>>
      tpu.enqueue_dma source(%dma_start3A_28 : memref<640xf32, #tpu.memory_space<vmem_shared>>) target(%arg16 : memref<640xf32, #tpu.memory_space<vmem>>) target_semaphore(%run_scoped3A : memref<!tpu.dma_semaphore, #tpu.memory_space<semaphore_mem>>)
      %dma_wait3A = tpu.memref_slice %arg11[%mul3A_0] : memref<10240xf32, #tpu.memory_space<vmem_shared>> -> memref<640xf32, #tpu.memory_space<vmem_shared>>
      %dma_wait3A_29 = tpu.memref_slice %arg11[%mul3A_0] : memref<10240xf32, #tpu.memory_space<vmem_shared>> -> memref<640xf32, #tpu.memory_space<vmem_shared>>
      tpu.wait_dma2 semaphore(%run_scoped3A : memref<!tpu.dma_semaphore, #tpu.memory_space<semaphore_mem>>) src(%dma_wait3A_29 : memref<640xf32, #tpu.memory_space<vmem_shared>>) dst(%arg16 : memref<640xf32, #tpu.memory_space<vmem>>)
      tpu.yield
    }) : () -> ()
    "tpu.region"() ({
      %run_scoped3A = tpu.sem_alloc : memref<!tpu.dma_semaphore, #tpu.memory_space<semaphore_mem>>
      %dma_start3A = tpu.memref_slice %arg10[%mul3A_0] : memref<10240xf32, #tpu.memory_space<vmem_shared>> -> memref<640xf32, #tpu.memory_space<vmem_shared>>
      %dma_start3A_28 = tpu.memref_slice %arg10[%mul3A_0] : memref<10240xf32, #tpu.memory_space<vmem_shared>> -> memref<640xf32, #tpu.memory_space<vmem_shared>>
      tpu.enqueue_dma source(%dma_start3A_28 : memref<640xf32, #tpu.memory_space<vmem_shared>>) target(%arg17 : memref<640xf32, #tpu.memory_space<vmem>>) target_semaphore(%run_scoped3A : memref<!tpu.dma_semaphore, #tpu.memory_space<semaphore_mem>>)
      %dma_wait3A = tpu.memref_slice %arg10[%mul3A_0] : memref<10240xf32, #tpu.memory_space<vmem_shared>> -> memref<640xf32, #tpu.memory_space<vmem_shared>>
      %dma_wait3A_29 = tpu.memref_slice %arg10[%mul3A_0] : memref<10240xf32, #tpu.memory_space<vmem_shared>> -> memref<640xf32, #tpu.memory_space<vmem_shared>>
      tpu.wait_dma2 semaphore(%run_scoped3A : memref<!tpu.dma_semaphore, #tpu.memory_space<semaphore_mem>>) src(%dma_wait3A_29 : memref<640xf32, #tpu.memory_space<vmem_shared>>) dst(%arg17 : memref<640xf32, #tpu.memory_space<vmem>>)
      tpu.yield
    }) : () -> ()
    %scan3A_7 = arith.constant 0 : i32
    %scan3A_8 = arith.constant 0 : i32
    %scan3A_9 = arith.constant 40 : i32
    %scan3A_10 = arith.addi %scan3A_8, %scan3A_9 : i32
    %scan3A_11 = arith.constant 1 : i32
    scf.for %scan3A_28 = %scan3A_8 to %scan3A_10 step %scan3A_11  : i32 {
      %mul3A_29 = arith.constant 16 : i32
      %mul3A_30 = arith.muli %scan3A_28, %mul3A_29 : i32
      %get3A = arith.index_cast %mul3A_30 : i32 to index
      %get3A_31 = tpu.vector_load %arg18[%get3A] {strides = array<i32>} : memref<640xf32, #tpu.memory_space<vmem>>, vector<16xf32>,
      %get3A_32 = vector.shape_cast %get3A_31 : vector<16xf32> to vector<16xf32>
      %get3A_33 = arith.index_cast %mul3A_30 : i32 to index
      %get3A_34 = tpu.vector_load %arg16[%get3A_33] {strides = array<i32>} : memref<640xf32, #tpu.memory_space<vmem>>, vector<16xf32>,
      %get3A_35 = vector.shape_cast %get3A_34 : vector<16xf32> to vector<16xf32>
      %get3A_36 = arith.index_cast %mul3A_30 : i32 to index
      %get3A_37 = tpu.vector_load %arg17[%get3A_36] {strides = array<i32>} : memref<640xf32, #tpu.memory_space<vmem>>, vector<16xf32>,
      %get3A_38 = vector.shape_cast %get3A_37 : vector<16xf32> to vector<16xf32>
      %add3A = arith.addf %get3A_35, %get3A_38 : vector<16xf32>
      %mul3A_39 = arith.mulf %add3A, %get3A_32 : vector<16xf32>
      %get3A_40 = arith.constant 0 : index
      %get3A_41 = tpu.vector_load %arg19[%get3A_40] {strides = array<i32>} : memref<16xf32, #tpu.memory_space<vmem>>, vector<16xf32>,
      %get3A_42 = vector.shape_cast %get3A_41 : vector<16xf32> to vector<16xf32>
      %add3A_43 = arith.addf %mul3A_39, %get3A_42 : vector<16xf32>
      %mul3A_44 = arith.mulf %add3A_43, %get3A_32 : vector<16xf32>
      %swap3A = arith.index_cast %mul3A_30 : i32 to index
      %swap3A_45 = tpu.vector_load %arg16[%swap3A] {strides = array<i32>} : memref<640xf32, #tpu.memory_space<vmem>>, vector<16xf32>,
      %swap3A_46 = vector.shape_cast %swap3A_45 : vector<16xf32> to vector<16xf32>
      %swap3A_47 = vector.shape_cast %mul3A_44 : vector<16xf32> to vector<16xf32>
      tpu.vector_store %arg16[%swap3A], %swap3A_47 {strides = array<i32>} : memref<640xf32, #tpu.memory_space<vmem>>, vector<16xf32>,
    }
    %scan3A_12 = arith.constant 40 : i32
    %barrier3A_13 = arith.constant 0 : index
    tpu.barrier barrier_id(%barrier3A_13)
    "tpu.region"() ({
      %run_scoped3A = tpu.sem_alloc : memref<!tpu.dma_semaphore, #tpu.memory_space<semaphore_mem>>
      %dma_start3A = tpu.memref_slice %arg10[%mul3A_0] : memref<10240xf32, #tpu.memory_space<vmem_shared>> -> memref<640xf32, #tpu.memory_space<vmem_shared>>
      %dma_start3A_28 = tpu.memref_slice %arg10[%mul3A_0] : memref<10240xf32, #tpu.memory_space<vmem_shared>> -> memref<640xf32, #tpu.memory_space<vmem_shared>>
      tpu.enqueue_dma source(%arg16 : memref<640xf32, #tpu.memory_space<vmem>>) target(%dma_start3A_28 : memref<640xf32, #tpu.memory_space<vmem_shared>>) target_semaphore(%run_scoped3A : memref<!tpu.dma_semaphore, #tpu.memory_space<semaphore_mem>>)
      %dma_wait3A = tpu.memref_slice %arg10[%mul3A_0] : memref<10240xf32, #tpu.memory_space<vmem_shared>> -> memref<640xf32, #tpu.memory_space<vmem_shared>>
      %dma_wait3A_29 = tpu.memref_slice %arg10[%mul3A_0] : memref<10240xf32, #tpu.memory_space<vmem_shared>> -> memref<640xf32, #tpu.memory_space<vmem_shared>>
      tpu.wait_dma2 semaphore(%run_scoped3A : memref<!tpu.dma_semaphore, #tpu.memory_space<semaphore_mem>>) src(%arg16 : memref<640xf32, #tpu.memory_space<vmem>>) dst(%dma_wait3A_29 : memref<640xf32, #tpu.memory_space<vmem_shared>>)
      tpu.yield
    }) : () -> ()
    %barrier3A_14 = arith.constant 0 : index
    tpu.barrier barrier_id(%barrier3A_14)
    %scan3A_15 = arith.constant 0 : i32
    %scan3A_16 = arith.constant 0 : i32
    %scan3A_17 = arith.constant 160 : i32
    %scan3A_18 = arith.addi %scan3A_16, %scan3A_17 : i32
    %scan3A_19 = arith.constant 1 : i32
    scf.for %scan3A_28 = %scan3A_16 to %scan3A_18 step %scan3A_19  : i32 {
      "tpu.region"() ({
        %run_scoped3A = tpu.sem_alloc : memref<!tpu.dma_semaphore, #tpu.memory_space<semaphore_mem>>
        %dma_start3A = arith.constant 0 : i32
        %dma_start3A_29 = tpu.memref_slice %arg13[%scan3A_28, %dma_start3A] : memref<160x128xi32, #tpu.memory_space<vmem>> -> memref<1x128xi32, #tpu.memory_space<vmem>>
        %dma_start3A_30 = tpu.memref_squeeze %dma_start3A_29 : memref<1x128xi32, #tpu.memory_space<vmem>> -> memref<128xi32, #tpu.memory_space<vmem>>
        %dma_start3A_31 = arith.constant 0 : i32
        %dma_start3A_32 = tpu.memref_slice %arg10[%dma_start3A_31] : memref<10240xf32, #tpu.memory_space<vmem_shared>> -> memref<10240xf32, #tpu.memory_space<vmem_shared>>
        tpu.enqueue_indirect_dma source(%dma_start3A_32 : memref<10240xf32, #tpu.memory_space<vmem_shared>>) target(%arg15 : memref<128xf32, #tpu.memory_space<vmem>>) offsets(%dma_start3A_30 : memref<128xi32, #tpu.memory_space<vmem>>) semaphore(%run_scoped3A : memref<!tpu.dma_semaphore, #tpu.memory_space<semaphore_mem>>)
        %dma_wait3A = arith.constant 0 : i32
        %dma_wait3A_33 = tpu.memref_slice %arg13[%scan3A_28, %dma_wait3A] : memref<160x128xi32, #tpu.memory_space<vmem>> -> memref<1x128xi32, #tpu.memory_space<vmem>>
        %dma_wait3A_34 = tpu.memref_squeeze %dma_wait3A_33 : memref<1x128xi32, #tpu.memory_space<vmem>> -> memref<128xi32, #tpu.memory_space<vmem>>
        %dma_wait3A_35 = arith.constant 0 : i32
        %dma_wait3A_36 = tpu.memref_slice %arg10[%dma_wait3A_35] : memref<10240xf32, #tpu.memory_space<vmem_shared>> -> memref<10240xf32, #tpu.memory_space<vmem_shared>>
        tpu.wait_indirect_dma semaphore(%run_scoped3A : memref<!tpu.dma_semaphore, #tpu.memory_space<semaphore_mem>>) src(%dma_wait3A_36 : memref<10240xf32, #tpu.memory_space<vmem_shared>>) dst(%arg15 : memref<128xf32, #tpu.memory_space<vmem>>)
        tpu.yield
      }) : () -> ()
      "tpu.region"() ({
        %run_scoped3A = tpu.sem_alloc : memref<!tpu.dma_semaphore, #tpu.memory_space<semaphore_mem>>
        %dma_start3A = arith.constant 0 : i32
        %dma_start3A_29 = tpu.memref_slice %arg14[%scan3A_28, %dma_start3A] : memref<160x128xi32, #tpu.memory_space<vmem>> -> memref<1x128xi32, #tpu.memory_space<vmem>>
        %dma_start3A_30 = tpu.memref_squeeze %dma_start3A_29 : memref<1x128xi32, #tpu.memory_space<vmem>> -> memref<128xi32, #tpu.memory_space<vmem>>
        %dma_start3A_31 = arith.constant 0 : i32
        %dma_start3A_32 = tpu.memref_slice %arg12[%dma_start3A_31] : memref<10240xf32, #tpu.memory_space<vmem_shared>> -> memref<10240xf32, #tpu.memory_space<vmem_shared>>
        tpu.enqueue_indirect_dma source(%arg15 : memref<128xf32, #tpu.memory_space<vmem>>) target(%dma_start3A_32 : memref<10240xf32, #tpu.memory_space<vmem_shared>>) offsets(%dma_start3A_30 : memref<128xi32, #tpu.memory_space<vmem>>) semaphore(%run_scoped3A : memref<!tpu.dma_semaphore, #tpu.memory_space<semaphore_mem>>) {add = true}
        %dma_wait3A = arith.constant 0 : i32
        %dma_wait3A_33 = tpu.memref_slice %arg14[%scan3A_28, %dma_wait3A] : memref<160x128xi32, #tpu.memory_space<vmem>> -> memref<1x128xi32, #tpu.memory_space<vmem>>
        %dma_wait3A_34 = tpu.memref_squeeze %dma_wait3A_33 : memref<1x128xi32, #tpu.memory_space<vmem>> -> memref<128xi32, #tpu.memory_space<vmem>>
        %dma_wait3A_35 = arith.constant 0 : i32
        %dma_wait3A_36 = tpu.memref_slice %arg12[%dma_wait3A_35] : memref<10240xf32, #tpu.memory_space<vmem_shared>> -> memref<10240xf32, #tpu.memory_space<vmem_shared>>
        tpu.wait_indirect_dma semaphore(%run_scoped3A : memref<!tpu.dma_semaphore, #tpu.memory_space<semaphore_mem>>) src(%arg15 : memref<128xf32, #tpu.memory_space<vmem>>) dst(%dma_wait3A_36 : memref<10240xf32, #tpu.memory_space<vmem_shared>>)
        tpu.yield
      }) : () -> ()
    }
    %scan3A_20 = arith.constant 160 : i32
    %barrier3A_21 = arith.constant 0 : index
    tpu.barrier barrier_id(%barrier3A_21)
    "tpu.region"() ({
      %run_scoped3A = tpu.sem_alloc : memref<!tpu.dma_semaphore, #tpu.memory_space<semaphore_mem>>
      %dma_start3A = tpu.memref_slice %arg12[%mul3A_0] : memref<10240xf32, #tpu.memory_space<vmem_shared>> -> memref<640xf32, #tpu.memory_space<vmem_shared>>
      %dma_start3A_28 = tpu.memref_slice %arg12[%mul3A_0] : memref<10240xf32, #tpu.memory_space<vmem_shared>> -> memref<640xf32, #tpu.memory_space<vmem_shared>>
      tpu.enqueue_dma source(%dma_start3A_28 : memref<640xf32, #tpu.memory_space<vmem_shared>>) target(%arg16 : memref<640xf32, #tpu.memory_space<vmem>>) target_semaphore(%run_scoped3A : memref<!tpu.dma_semaphore, #tpu.memory_space<semaphore_mem>>)
      %dma_wait3A = tpu.memref_slice %arg12[%mul3A_0] : memref<10240xf32, #tpu.memory_space<vmem_shared>> -> memref<640xf32, #tpu.memory_space<vmem_shared>>
      %dma_wait3A_29 = tpu.memref_slice %arg12[%mul3A_0] : memref<10240xf32, #tpu.memory_space<vmem_shared>> -> memref<640xf32, #tpu.memory_space<vmem_shared>>
      tpu.wait_dma2 semaphore(%run_scoped3A : memref<!tpu.dma_semaphore, #tpu.memory_space<semaphore_mem>>) src(%dma_wait3A_29 : memref<640xf32, #tpu.memory_space<vmem_shared>>) dst(%arg16 : memref<640xf32, #tpu.memory_space<vmem>>)
      tpu.yield
    }) : () -> ()
    "tpu.region"() ({
      %run_scoped3A = tpu.sem_alloc : memref<!tpu.dma_semaphore, #tpu.memory_space<semaphore_mem>>
      %dma_start3A = tpu.memref_slice %arg10[%mul3A_0] : memref<10240xf32, #tpu.memory_space<vmem_shared>> -> memref<640xf32, #tpu.memory_space<vmem_shared>>
      %dma_start3A_28 = tpu.memref_slice %arg10[%mul3A_0] : memref<10240xf32, #tpu.memory_space<vmem_shared>> -> memref<640xf32, #tpu.memory_space<vmem_shared>>
      tpu.enqueue_dma source(%dma_start3A_28 : memref<640xf32, #tpu.memory_space<vmem_shared>>) target(%arg17 : memref<640xf32, #tpu.memory_space<vmem>>) target_semaphore(%run_scoped3A : memref<!tpu.dma_semaphore, #tpu.memory_space<semaphore_mem>>)
      %dma_wait3A = tpu.memref_slice %arg10[%mul3A_0] : memref<10240xf32, #tpu.memory_space<vmem_shared>> -> memref<640xf32, #tpu.memory_space<vmem_shared>>
      %dma_wait3A_29 = tpu.memref_slice %arg10[%mul3A_0] : memref<10240xf32, #tpu.memory_space<vmem_shared>> -> memref<640xf32, #tpu.memory_space<vmem_shared>>
      tpu.wait_dma2 semaphore(%run_scoped3A : memref<!tpu.dma_semaphore, #tpu.memory_space<semaphore_mem>>) src(%dma_wait3A_29 : memref<640xf32, #tpu.memory_space<vmem_shared>>) dst(%arg17 : memref<640xf32, #tpu.memory_space<vmem>>)
      tpu.yield
    }) : () -> ()
    %scan3A_22 = arith.constant 0 : i32
    %scan3A_23 = arith.constant 0 : i32
    %scan3A_24 = arith.constant 40 : i32
    %scan3A_25 = arith.addi %scan3A_23, %scan3A_24 : i32
    %scan3A_26 = arith.constant 1 : i32
    scf.for %scan3A_28 = %scan3A_23 to %scan3A_25 step %scan3A_26  : i32 {
      %mul3A_29 = arith.constant 16 : i32
      %mul3A_30 = arith.muli %scan3A_28, %mul3A_29 : i32
      %get3A = arith.index_cast %mul3A_30 : i32 to index
      %get3A_31 = tpu.vector_load %arg16[%get3A] {strides = array<i32>} : memref<640xf32, #tpu.memory_space<vmem>>, vector<16xf32>,
      %get3A_32 = vector.shape_cast %get3A_31 : vector<16xf32> to vector<16xf32>
      %get3A_33 = arith.index_cast %mul3A_30 : i32 to index
      %get3A_34 = tpu.vector_load %arg17[%get3A_33] {strides = array<i32>} : memref<640xf32, #tpu.memory_space<vmem>>, vector<16xf32>,
      %get3A_35 = vector.shape_cast %get3A_34 : vector<16xf32> to vector<16xf32>
      %add3A = arith.addf %get3A_32, %get3A_35 : vector<16xf32>
      %get3A_36 = arith.index_cast %mul3A_30 : i32 to index
      %get3A_37 = tpu.vector_load %arg18[%get3A_36] {strides = array<i32>} : memref<640xf32, #tpu.memory_space<vmem>>, vector<16xf32>,
      %get3A_38 = vector.shape_cast %get3A_37 : vector<16xf32> to vector<16xf32>
      %mul3A_39 = arith.mulf %add3A, %get3A_38 : vector<16xf32>
      %get3A_40 = arith.constant 0 : index
      %get3A_41 = tpu.vector_load %arg20[%get3A_40] {strides = array<i32>} : memref<16xf32, #tpu.memory_space<vmem>>, vector<16xf32>,
      %get3A_42 = vector.shape_cast %get3A_41 : vector<16xf32> to vector<16xf32>
      %add3A_43 = arith.addf %mul3A_39, %get3A_42 : vector<16xf32>
      %swap3A = arith.index_cast %mul3A_30 : i32 to index
      %swap3A_44 = tpu.vector_load %arg17[%swap3A] {strides = array<i32>} : memref<640xf32, #tpu.memory_space<vmem>>, vector<16xf32>,
      %swap3A_45 = vector.shape_cast %swap3A_44 : vector<16xf32> to vector<16xf32>
      %swap3A_46 = vector.shape_cast %add3A_43 : vector<16xf32> to vector<16xf32>
      tpu.vector_store %arg17[%swap3A], %swap3A_46 {strides = array<i32>} : memref<640xf32, #tpu.memory_space<vmem>>, vector<16xf32>,
    }
    %scan3A_27 = arith.constant 40 : i32
    "tpu.region"() ({
      %run_scoped3A = tpu.sem_alloc : memref<!tpu.dma_semaphore, #tpu.memory_space<semaphore_mem>>
      %dma_start3A = tpu.memref_slice %arg9[%mul3A_0] : memref<10240xf32, #tpu.memory_space<hbm>> -> memref<640xf32, #tpu.memory_space<hbm>>
      %dma_start3A_28 = tpu.memref_slice %arg9[%mul3A_0] : memref<10240xf32, #tpu.memory_space<hbm>> -> memref<640xf32, #tpu.memory_space<hbm>>
      tpu.enqueue_dma source(%arg17 : memref<640xf32, #tpu.memory_space<vmem>>) target(%dma_start3A_28 : memref<640xf32, #tpu.memory_space<hbm>>) target_semaphore(%run_scoped3A : memref<!tpu.dma_semaphore, #tpu.memory_space<semaphore_mem>>)
      %dma_wait3A = tpu.memref_slice %arg9[%mul3A_0] : memref<10240xf32, #tpu.memory_space<hbm>> -> memref<640xf32, #tpu.memory_space<hbm>>
      %dma_wait3A_29 = tpu.memref_slice %arg9[%mul3A_0] : memref<10240xf32, #tpu.memory_space<hbm>> -> memref<640xf32, #tpu.memory_space<hbm>>
      tpu.wait_dma2 semaphore(%run_scoped3A : memref<!tpu.dma_semaphore, #tpu.memory_space<semaphore_mem>>) src(%arg17 : memref<640xf32, #tpu.memory_space<vmem>>) dst(%dma_wait3A_29 : memref<640xf32, #tpu.memory_space<hbm>>)
      tpu.yield
    }) : () -> ()
    return
  }
}

#map = affine_map<(d0, d1) -> (0, 0)>
#map1 = affine_map<(d0, d1) -> (0, 0, 0)>
module attributes {stable_mosaic.version = 14 : i64} {
  func.func @_sc_prop16(%arg0: i32, %arg1: i32, %arg2: memref<10240x8xf32, #tpu.memory_space<hbm>>, %arg3: memref<10240x8xf32, #tpu.memory_space<hbm>>, %arg4: memref<16x160x128xi32, #tpu.memory_space<hbm>>, %arg5: memref<16x160x128xi32, #tpu.memory_space<hbm>>, %arg6: memref<10240x8xf32, #tpu.memory_space<hbm>>, %arg7: memref<10240x8xf32, #tpu.memory_space<hbm>>, %arg8: memref<10240x8xf32, #tpu.memory_space<hbm>>, %arg9: memref<10240x8xf32, #tpu.memory_space<vmem_shared>>, %arg10: memref<10240x8xf32, #tpu.memory_space<vmem_shared>>, %arg11: memref<160x128xi32, #tpu.memory_space<vmem>>, %arg12: memref<160x128xi32, #tpu.memory_space<vmem>>, %arg13: memref<128x8xf32, #tpu.memory_space<vmem>>) attributes {dimension_semantics = [#tpu.dimension_semantics<core_parallel>, #tpu.dimension_semantics<subcore_parallel>], iteration_bounds = array<i64: 2, 16>, scalar_prefetch = 0 : i64, scratch_operands = 5 : i64, tpu.core_type = #tpu.core_type<sc_vector_subcore>, window_params = [{transform_indices = #map}, {transform_indices = #map}, {transform_indices = #map1}, {transform_indices = #map1}, {transform_indices = #map}, {transform_indices = #map}, {transform_indices = #map}]} {
    %mul3A = arith.constant 640 : i32
    %mul3A_0 = arith.muli %arg1, %mul3A : i32
    %eq3A = arith.constant 0 : i32
    %eq3A_1 = arith.cmpi eq, %arg0, %eq3A : i32
    %convert_element_type3A = arith.extui %eq3A_1 : i1 to i32
    %cond3A = arith.constant 0 : i32
    %cond3A_2 = arith.cmpi ne, %convert_element_type3A, %cond3A : i32
    scf.if %cond3A_2 {
      "tpu.region"() ({
        %run_scoped3A = tpu.sem_alloc : memref<!tpu.dma_semaphore, #tpu.memory_space<semaphore_mem>>
        %dma_start3A = arith.constant 0 : i32
        %dma_start3A_24 = tpu.memref_slice %arg9[%mul3A_0, %dma_start3A] : memref<10240x8xf32, #tpu.memory_space<vmem_shared>> -> memref<640x8xf32, #tpu.memory_space<vmem_shared>>
        %dma_start3A_25 = arith.constant 0 : i32
        %dma_start3A_26 = tpu.memref_slice %arg2[%mul3A_0, %dma_start3A_25] : memref<10240x8xf32, #tpu.memory_space<hbm>> -> memref<640x8xf32, #tpu.memory_space<hbm>>
        tpu.enqueue_dma source(%dma_start3A_26 : memref<640x8xf32, #tpu.memory_space<hbm>>) target(%dma_start3A_24 : memref<640x8xf32, #tpu.memory_space<vmem_shared>>) target_semaphore(%run_scoped3A : memref<!tpu.dma_semaphore, #tpu.memory_space<semaphore_mem>>)
        %dma_wait3A = arith.constant 0 : i32
        %dma_wait3A_27 = tpu.memref_slice %arg9[%mul3A_0, %dma_wait3A] : memref<10240x8xf32, #tpu.memory_space<vmem_shared>> -> memref<640x8xf32, #tpu.memory_space<vmem_shared>>
        %dma_wait3A_28 = arith.constant 0 : i32
        %dma_wait3A_29 = tpu.memref_slice %arg2[%mul3A_0, %dma_wait3A_28] : memref<10240x8xf32, #tpu.memory_space<hbm>> -> memref<640x8xf32, #tpu.memory_space<hbm>>
        tpu.wait_dma2 semaphore(%run_scoped3A : memref<!tpu.dma_semaphore, #tpu.memory_space<semaphore_mem>>) src(%dma_wait3A_29 : memref<640x8xf32, #tpu.memory_space<hbm>>) dst(%dma_wait3A_27 : memref<640x8xf32, #tpu.memory_space<vmem_shared>>)
        tpu.yield
      }) : () -> ()
    } else {
    }
    %eq3A_3 = arith.constant 1 : i32
    %eq3A_4 = arith.cmpi eq, %arg0, %eq3A_3 : i32
    %convert_element_type3A_5 = arith.extui %eq3A_4 : i1 to i32
    %cond3A_6 = arith.constant 0 : i32
    %cond3A_7 = arith.cmpi ne, %convert_element_type3A_5, %cond3A_6 : i32
    scf.if %cond3A_7 {
      "tpu.region"() ({
        %run_scoped3A = tpu.sem_alloc : memref<!tpu.dma_semaphore, #tpu.memory_space<semaphore_mem>>
        %dma_start3A = arith.constant 0 : i32
        %dma_start3A_24 = tpu.memref_slice %arg9[%mul3A_0, %dma_start3A] : memref<10240x8xf32, #tpu.memory_space<vmem_shared>> -> memref<640x8xf32, #tpu.memory_space<vmem_shared>>
        %dma_start3A_25 = arith.constant 0 : i32
        %dma_start3A_26 = tpu.memref_slice %arg3[%mul3A_0, %dma_start3A_25] : memref<10240x8xf32, #tpu.memory_space<hbm>> -> memref<640x8xf32, #tpu.memory_space<hbm>>
        tpu.enqueue_dma source(%dma_start3A_26 : memref<640x8xf32, #tpu.memory_space<hbm>>) target(%dma_start3A_24 : memref<640x8xf32, #tpu.memory_space<vmem_shared>>) target_semaphore(%run_scoped3A : memref<!tpu.dma_semaphore, #tpu.memory_space<semaphore_mem>>)
        %dma_wait3A = arith.constant 0 : i32
        %dma_wait3A_27 = tpu.memref_slice %arg9[%mul3A_0, %dma_wait3A] : memref<10240x8xf32, #tpu.memory_space<vmem_shared>> -> memref<640x8xf32, #tpu.memory_space<vmem_shared>>
        %dma_wait3A_28 = arith.constant 0 : i32
        %dma_wait3A_29 = tpu.memref_slice %arg3[%mul3A_0, %dma_wait3A_28] : memref<10240x8xf32, #tpu.memory_space<hbm>> -> memref<640x8xf32, #tpu.memory_space<hbm>>
        tpu.wait_dma2 semaphore(%run_scoped3A : memref<!tpu.dma_semaphore, #tpu.memory_space<semaphore_mem>>) src(%dma_wait3A_29 : memref<640x8xf32, #tpu.memory_space<hbm>>) dst(%dma_wait3A_27 : memref<640x8xf32, #tpu.memory_space<vmem_shared>>)
        tpu.yield
      }) : () -> ()
    } else {
    }
    "tpu.region"() ({
      %run_scoped3A = tpu.sem_alloc : memref<!tpu.dma_semaphore, #tpu.memory_space<semaphore_mem>>
      %dma_start3A = arith.constant 0 : i32
      %dma_start3A_24 = tpu.memref_slice %arg10[%mul3A_0, %dma_start3A] : memref<10240x8xf32, #tpu.memory_space<vmem_shared>> -> memref<640x8xf32, #tpu.memory_space<vmem_shared>>
      %dma_start3A_25 = arith.constant 0 : i32
      %dma_start3A_26 = tpu.memref_slice %arg6[%mul3A_0, %dma_start3A_25] : memref<10240x8xf32, #tpu.memory_space<hbm>> -> memref<640x8xf32, #tpu.memory_space<hbm>>
      tpu.enqueue_dma source(%dma_start3A_26 : memref<640x8xf32, #tpu.memory_space<hbm>>) target(%dma_start3A_24 : memref<640x8xf32, #tpu.memory_space<vmem_shared>>) target_semaphore(%run_scoped3A : memref<!tpu.dma_semaphore, #tpu.memory_space<semaphore_mem>>)
      %dma_wait3A = arith.constant 0 : i32
      %dma_wait3A_27 = tpu.memref_slice %arg10[%mul3A_0, %dma_wait3A] : memref<10240x8xf32, #tpu.memory_space<vmem_shared>> -> memref<640x8xf32, #tpu.memory_space<vmem_shared>>
      %dma_wait3A_28 = arith.constant 0 : i32
      %dma_wait3A_29 = tpu.memref_slice %arg6[%mul3A_0, %dma_wait3A_28] : memref<10240x8xf32, #tpu.memory_space<hbm>> -> memref<640x8xf32, #tpu.memory_space<hbm>>
      tpu.wait_dma2 semaphore(%run_scoped3A : memref<!tpu.dma_semaphore, #tpu.memory_space<semaphore_mem>>) src(%dma_wait3A_29 : memref<640x8xf32, #tpu.memory_space<hbm>>) dst(%dma_wait3A_27 : memref<640x8xf32, #tpu.memory_space<vmem_shared>>)
      tpu.yield
    }) : () -> ()
    "tpu.region"() ({
      %run_scoped3A = tpu.sem_alloc : memref<!tpu.dma_semaphore, #tpu.memory_space<semaphore_mem>>
      %dma_start3A = arith.constant 0 : i32
      %dma_start3A_24 = arith.constant 0 : i32
      %dma_start3A_25 = tpu.memref_slice %arg4[%arg1, %dma_start3A, %dma_start3A_24] : memref<16x160x128xi32, #tpu.memory_space<hbm>> -> memref<1x160x128xi32, #tpu.memory_space<hbm>>
      %dma_start3A_26 = tpu.memref_squeeze %dma_start3A_25 : memref<1x160x128xi32, #tpu.memory_space<hbm>> -> memref<160x128xi32, #tpu.memory_space<hbm>>
      %dma_start3A_27 = arith.constant 0 : i32
      %dma_start3A_28 = arith.constant 0 : i32
      %dma_start3A_29 = tpu.memref_slice %arg4[%arg1, %dma_start3A_27, %dma_start3A_28] : memref<16x160x128xi32, #tpu.memory_space<hbm>> -> memref<1x160x128xi32, #tpu.memory_space<hbm>>
      %dma_start3A_30 = tpu.memref_squeeze %dma_start3A_29 : memref<1x160x128xi32, #tpu.memory_space<hbm>> -> memref<160x128xi32, #tpu.memory_space<hbm>>
      tpu.enqueue_dma source(%dma_start3A_30 : memref<160x128xi32, #tpu.memory_space<hbm>>) target(%arg11 : memref<160x128xi32, #tpu.memory_space<vmem>>) target_semaphore(%run_scoped3A : memref<!tpu.dma_semaphore, #tpu.memory_space<semaphore_mem>>)
      %dma_wait3A = arith.constant 0 : i32
      %dma_wait3A_31 = arith.constant 0 : i32
      %dma_wait3A_32 = tpu.memref_slice %arg4[%arg1, %dma_wait3A, %dma_wait3A_31] : memref<16x160x128xi32, #tpu.memory_space<hbm>> -> memref<1x160x128xi32, #tpu.memory_space<hbm>>
      %dma_wait3A_33 = tpu.memref_squeeze %dma_wait3A_32 : memref<1x160x128xi32, #tpu.memory_space<hbm>> -> memref<160x128xi32, #tpu.memory_space<hbm>>
      %dma_wait3A_34 = arith.constant 0 : i32
      %dma_wait3A_35 = arith.constant 0 : i32
      %dma_wait3A_36 = tpu.memref_slice %arg4[%arg1, %dma_wait3A_34, %dma_wait3A_35] : memref<16x160x128xi32, #tpu.memory_space<hbm>> -> memref<1x160x128xi32, #tpu.memory_space<hbm>>
      %dma_wait3A_37 = tpu.memref_squeeze %dma_wait3A_36 : memref<1x160x128xi32, #tpu.memory_space<hbm>> -> memref<160x128xi32, #tpu.memory_space<hbm>>
      tpu.wait_dma2 semaphore(%run_scoped3A : memref<!tpu.dma_semaphore, #tpu.memory_space<semaphore_mem>>) src(%dma_wait3A_37 : memref<160x128xi32, #tpu.memory_space<hbm>>) dst(%arg11 : memref<160x128xi32, #tpu.memory_space<vmem>>)
      tpu.yield
    }) : () -> ()
    "tpu.region"() ({
      %run_scoped3A = tpu.sem_alloc : memref<!tpu.dma_semaphore, #tpu.memory_space<semaphore_mem>>
      %dma_start3A = arith.constant 0 : i32
      %dma_start3A_24 = arith.constant 0 : i32
      %dma_start3A_25 = tpu.memref_slice %arg5[%arg1, %dma_start3A, %dma_start3A_24] : memref<16x160x128xi32, #tpu.memory_space<hbm>> -> memref<1x160x128xi32, #tpu.memory_space<hbm>>
      %dma_start3A_26 = tpu.memref_squeeze %dma_start3A_25 : memref<1x160x128xi32, #tpu.memory_space<hbm>> -> memref<160x128xi32, #tpu.memory_space<hbm>>
      %dma_start3A_27 = arith.constant 0 : i32
      %dma_start3A_28 = arith.constant 0 : i32
      %dma_start3A_29 = tpu.memref_slice %arg5[%arg1, %dma_start3A_27, %dma_start3A_28] : memref<16x160x128xi32, #tpu.memory_space<hbm>> -> memref<1x160x128xi32, #tpu.memory_space<hbm>>
      %dma_start3A_30 = tpu.memref_squeeze %dma_start3A_29 : memref<1x160x128xi32, #tpu.memory_space<hbm>> -> memref<160x128xi32, #tpu.memory_space<hbm>>
      tpu.enqueue_dma source(%dma_start3A_30 : memref<160x128xi32, #tpu.memory_space<hbm>>) target(%arg12 : memref<160x128xi32, #tpu.memory_space<vmem>>) target_semaphore(%run_scoped3A : memref<!tpu.dma_semaphore, #tpu.memory_space<semaphore_mem>>)
      %dma_wait3A = arith.constant 0 : i32
      %dma_wait3A_31 = arith.constant 0 : i32
      %dma_wait3A_32 = tpu.memref_slice %arg5[%arg1, %dma_wait3A, %dma_wait3A_31] : memref<16x160x128xi32, #tpu.memory_space<hbm>> -> memref<1x160x128xi32, #tpu.memory_space<hbm>>
      %dma_wait3A_33 = tpu.memref_squeeze %dma_wait3A_32 : memref<1x160x128xi32, #tpu.memory_space<hbm>> -> memref<160x128xi32, #tpu.memory_space<hbm>>
      %dma_wait3A_34 = arith.constant 0 : i32
      %dma_wait3A_35 = arith.constant 0 : i32
      %dma_wait3A_36 = tpu.memref_slice %arg5[%arg1, %dma_wait3A_34, %dma_wait3A_35] : memref<16x160x128xi32, #tpu.memory_space<hbm>> -> memref<1x160x128xi32, #tpu.memory_space<hbm>>
      %dma_wait3A_37 = tpu.memref_squeeze %dma_wait3A_36 : memref<1x160x128xi32, #tpu.memory_space<hbm>> -> memref<160x128xi32, #tpu.memory_space<hbm>>
      tpu.wait_dma2 semaphore(%run_scoped3A : memref<!tpu.dma_semaphore, #tpu.memory_space<semaphore_mem>>) src(%dma_wait3A_37 : memref<160x128xi32, #tpu.memory_space<hbm>>) dst(%arg12 : memref<160x128xi32, #tpu.memory_space<vmem>>)
      tpu.yield
    }) : () -> ()
    %barrier3A = arith.constant 0 : index
    tpu.barrier barrier_id(%barrier3A)
    %scan3A = arith.constant 0 : i32
    %scan3A_8 = arith.constant 0 : i32
    %scan3A_9 = arith.constant 160 : i32
    %scan3A_10 = arith.addi %scan3A_8, %scan3A_9 : i32
    %scan3A_11 = arith.constant 1 : i32
    scf.for %scan3A_24 = %scan3A_8 to %scan3A_10 step %scan3A_11  : i32 {
      "tpu.region"() ({
        %run_scoped3A = tpu.sem_alloc : memref<!tpu.dma_semaphore, #tpu.memory_space<semaphore_mem>>
        %dma_start3A = arith.constant 0 : i32
        %dma_start3A_25 = tpu.memref_slice %arg11[%scan3A_24, %dma_start3A] : memref<160x128xi32, #tpu.memory_space<vmem>> -> memref<1x128xi32, #tpu.memory_space<vmem>>
        %dma_start3A_26 = tpu.memref_squeeze %dma_start3A_25 : memref<1x128xi32, #tpu.memory_space<vmem>> -> memref<128xi32, #tpu.memory_space<vmem>>
        %dma_start3A_27 = arith.constant 0 : i32
        %dma_start3A_28 = arith.constant 0 : i32
        %dma_start3A_29 = tpu.memref_slice %arg9[%dma_start3A_27, %dma_start3A_28] : memref<10240x8xf32, #tpu.memory_space<vmem_shared>> -> memref<10240x8xf32, #tpu.memory_space<vmem_shared>>
        tpu.enqueue_indirect_dma source(%dma_start3A_29 : memref<10240x8xf32, #tpu.memory_space<vmem_shared>>) target(%arg13 : memref<128x8xf32, #tpu.memory_space<vmem>>) offsets(%dma_start3A_26 : memref<128xi32, #tpu.memory_space<vmem>>) semaphore(%run_scoped3A : memref<!tpu.dma_semaphore, #tpu.memory_space<semaphore_mem>>)
        %dma_wait3A = arith.constant 0 : i32
        %dma_wait3A_30 = tpu.memref_slice %arg11[%scan3A_24, %dma_wait3A] : memref<160x128xi32, #tpu.memory_space<vmem>> -> memref<1x128xi32, #tpu.memory_space<vmem>>
        %dma_wait3A_31 = tpu.memref_squeeze %dma_wait3A_30 : memref<1x128xi32, #tpu.memory_space<vmem>> -> memref<128xi32, #tpu.memory_space<vmem>>
        %dma_wait3A_32 = arith.constant 0 : i32
        %dma_wait3A_33 = arith.constant 0 : i32
        %dma_wait3A_34 = tpu.memref_slice %arg9[%dma_wait3A_32, %dma_wait3A_33] : memref<10240x8xf32, #tpu.memory_space<vmem_shared>> -> memref<10240x8xf32, #tpu.memory_space<vmem_shared>>
        tpu.wait_indirect_dma semaphore(%run_scoped3A : memref<!tpu.dma_semaphore, #tpu.memory_space<semaphore_mem>>) src(%dma_wait3A_34 : memref<10240x8xf32, #tpu.memory_space<vmem_shared>>) dst(%arg13 : memref<128x8xf32, #tpu.memory_space<vmem>>)
        tpu.yield
      }) : () -> ()
      "tpu.region"() ({
        %run_scoped3A = tpu.sem_alloc : memref<!tpu.dma_semaphore, #tpu.memory_space<semaphore_mem>>
        %dma_start3A = arith.constant 0 : i32
        %dma_start3A_25 = tpu.memref_slice %arg12[%scan3A_24, %dma_start3A] : memref<160x128xi32, #tpu.memory_space<vmem>> -> memref<1x128xi32, #tpu.memory_space<vmem>>
        %dma_start3A_26 = tpu.memref_squeeze %dma_start3A_25 : memref<1x128xi32, #tpu.memory_space<vmem>> -> memref<128xi32, #tpu.memory_space<vmem>>
        %dma_start3A_27 = arith.constant 0 : i32
        %dma_start3A_28 = arith.constant 0 : i32
        %dma_start3A_29 = tpu.memref_slice %arg10[%dma_start3A_27, %dma_start3A_28] : memref<10240x8xf32, #tpu.memory_space<vmem_shared>> -> memref<10240x8xf32, #tpu.memory_space<vmem_shared>>
        tpu.enqueue_indirect_dma source(%arg13 : memref<128x8xf32, #tpu.memory_space<vmem>>) target(%dma_start3A_29 : memref<10240x8xf32, #tpu.memory_space<vmem_shared>>) offsets(%dma_start3A_26 : memref<128xi32, #tpu.memory_space<vmem>>) semaphore(%run_scoped3A : memref<!tpu.dma_semaphore, #tpu.memory_space<semaphore_mem>>) {add = true}
        %dma_wait3A = arith.constant 0 : i32
        %dma_wait3A_30 = tpu.memref_slice %arg12[%scan3A_24, %dma_wait3A] : memref<160x128xi32, #tpu.memory_space<vmem>> -> memref<1x128xi32, #tpu.memory_space<vmem>>
        %dma_wait3A_31 = tpu.memref_squeeze %dma_wait3A_30 : memref<1x128xi32, #tpu.memory_space<vmem>> -> memref<128xi32, #tpu.memory_space<vmem>>
        %dma_wait3A_32 = arith.constant 0 : i32
        %dma_wait3A_33 = arith.constant 0 : i32
        %dma_wait3A_34 = tpu.memref_slice %arg10[%dma_wait3A_32, %dma_wait3A_33] : memref<10240x8xf32, #tpu.memory_space<vmem_shared>> -> memref<10240x8xf32, #tpu.memory_space<vmem_shared>>
        tpu.wait_indirect_dma semaphore(%run_scoped3A : memref<!tpu.dma_semaphore, #tpu.memory_space<semaphore_mem>>) src(%arg13 : memref<128x8xf32, #tpu.memory_space<vmem>>) dst(%dma_wait3A_34 : memref<10240x8xf32, #tpu.memory_space<vmem_shared>>)
        tpu.yield
      }) : () -> ()
    }
    %scan3A_12 = arith.constant 160 : i32
    %barrier3A_13 = arith.constant 0 : index
    tpu.barrier barrier_id(%barrier3A_13)
    %eq3A_14 = arith.constant 0 : i32
    %eq3A_15 = arith.cmpi eq, %arg0, %eq3A_14 : i32
    %convert_element_type3A_16 = arith.extui %eq3A_15 : i1 to i32
    %cond3A_17 = arith.constant 0 : i32
    %cond3A_18 = arith.cmpi ne, %convert_element_type3A_16, %cond3A_17 : i32
    scf.if %cond3A_18 {
      "tpu.region"() ({
        %run_scoped3A = tpu.sem_alloc : memref<!tpu.dma_semaphore, #tpu.memory_space<semaphore_mem>>
        %dma_start3A = arith.constant 0 : i32
        %dma_start3A_24 = tpu.memref_slice %arg7[%mul3A_0, %dma_start3A] : memref<10240x8xf32, #tpu.memory_space<hbm>> -> memref<640x8xf32, #tpu.memory_space<hbm>>
        %dma_start3A_25 = arith.constant 0 : i32
        %dma_start3A_26 = tpu.memref_slice %arg10[%mul3A_0, %dma_start3A_25] : memref<10240x8xf32, #tpu.memory_space<vmem_shared>> -> memref<640x8xf32, #tpu.memory_space<vmem_shared>>
        tpu.enqueue_dma source(%dma_start3A_26 : memref<640x8xf32, #tpu.memory_space<vmem_shared>>) target(%dma_start3A_24 : memref<640x8xf32, #tpu.memory_space<hbm>>) target_semaphore(%run_scoped3A : memref<!tpu.dma_semaphore, #tpu.memory_space<semaphore_mem>>)
        %dma_wait3A = arith.constant 0 : i32
        %dma_wait3A_27 = tpu.memref_slice %arg7[%mul3A_0, %dma_wait3A] : memref<10240x8xf32, #tpu.memory_space<hbm>> -> memref<640x8xf32, #tpu.memory_space<hbm>>
        %dma_wait3A_28 = arith.constant 0 : i32
        %dma_wait3A_29 = tpu.memref_slice %arg10[%mul3A_0, %dma_wait3A_28] : memref<10240x8xf32, #tpu.memory_space<vmem_shared>> -> memref<640x8xf32, #tpu.memory_space<vmem_shared>>
        tpu.wait_dma2 semaphore(%run_scoped3A : memref<!tpu.dma_semaphore, #tpu.memory_space<semaphore_mem>>) src(%dma_wait3A_29 : memref<640x8xf32, #tpu.memory_space<vmem_shared>>) dst(%dma_wait3A_27 : memref<640x8xf32, #tpu.memory_space<hbm>>)
        tpu.yield
      }) : () -> ()
    } else {
    }
    %eq3A_19 = arith.constant 1 : i32
    %eq3A_20 = arith.cmpi eq, %arg0, %eq3A_19 : i32
    %convert_element_type3A_21 = arith.extui %eq3A_20 : i1 to i32
    %cond3A_22 = arith.constant 0 : i32
    %cond3A_23 = arith.cmpi ne, %convert_element_type3A_21, %cond3A_22 : i32
    scf.if %cond3A_23 {
      "tpu.region"() ({
        %run_scoped3A = tpu.sem_alloc : memref<!tpu.dma_semaphore, #tpu.memory_space<semaphore_mem>>
        %dma_start3A = arith.constant 0 : i32
        %dma_start3A_24 = tpu.memref_slice %arg8[%mul3A_0, %dma_start3A] : memref<10240x8xf32, #tpu.memory_space<hbm>> -> memref<640x8xf32, #tpu.memory_space<hbm>>
        %dma_start3A_25 = arith.constant 0 : i32
        %dma_start3A_26 = tpu.memref_slice %arg10[%mul3A_0, %dma_start3A_25] : memref<10240x8xf32, #tpu.memory_space<vmem_shared>> -> memref<640x8xf32, #tpu.memory_space<vmem_shared>>
        tpu.enqueue_dma source(%dma_start3A_26 : memref<640x8xf32, #tpu.memory_space<vmem_shared>>) target(%dma_start3A_24 : memref<640x8xf32, #tpu.memory_space<hbm>>) target_semaphore(%run_scoped3A : memref<!tpu.dma_semaphore, #tpu.memory_space<semaphore_mem>>)
        %dma_wait3A = arith.constant 0 : i32
        %dma_wait3A_27 = tpu.memref_slice %arg8[%mul3A_0, %dma_wait3A] : memref<10240x8xf32, #tpu.memory_space<hbm>> -> memref<640x8xf32, #tpu.memory_space<hbm>>
        %dma_wait3A_28 = arith.constant 0 : i32
        %dma_wait3A_29 = tpu.memref_slice %arg10[%mul3A_0, %dma_wait3A_28] : memref<10240x8xf32, #tpu.memory_space<vmem_shared>> -> memref<640x8xf32, #tpu.memory_space<vmem_shared>>
        tpu.wait_dma2 semaphore(%run_scoped3A : memref<!tpu.dma_semaphore, #tpu.memory_space<semaphore_mem>>) src(%dma_wait3A_29 : memref<640x8xf32, #tpu.memory_space<vmem_shared>>) dst(%dma_wait3A_27 : memref<640x8xf32, #tpu.memory_space<hbm>>)
        tpu.yield
      }) : () -> ()
    } else {
    }
    return
  }
}

module attributes {stable_mosaic.version = 14 : i64} {
  func.func @_tc_b_body(%arg0: memref<10240x128xf32, #tpu.memory_space<vmem>>, %arg1: memref<128x16xf32, #tpu.memory_space<vmem>>, %arg2: memref<10240x1xf32, #tpu.memory_space<vmem>>, %arg3: memref<10240x1xf32, #tpu.memory_space<vmem>>, %arg4: memref<10240x16xf32, #tpu.memory_space<vmem>>) attributes {dimension_semantics = [], scalar_prefetch = 0 : i64, scratch_operands = 0 : i64, tpu.core_type = #tpu.core_type<tc>} {
    %get3A = arith.constant 0 : index
    %get3A_0 = arith.constant 0 : index
    %get3A_1 = vector.load %arg2[%get3A, %get3A_0] : memref<10240x1xf32, #tpu.memory_space<vmem>>, vector<10240x1xf32>
    %add3A = arith.constant 1.000000e+00 : f32
    %add3A_2 = vector.broadcast %add3A : f32 to vector<10240x1xf32>
    %add3A_3 = arith.addf %get3A_1, %add3A_2 : vector<10240x1xf32>
    %rsqrt3A = math.rsqrt %add3A_3 : vector<10240x1xf32>
    %swap3A = arith.constant 0 : index
    %swap3A_4 = arith.constant 0 : index
    %swap3A_5 = vector.load %arg3[%swap3A, %swap3A_4] : memref<10240x1xf32, #tpu.memory_space<vmem>>, vector<10240x1xf32>
    tpu.vector_store %arg3[%swap3A, %swap3A_4], %rsqrt3A {strides = array<i32>} : memref<10240x1xf32, #tpu.memory_space<vmem>>, vector<10240x1xf32>,
    %get3A_6 = arith.constant 0 : index
    %get3A_7 = arith.constant 0 : index
    %get3A_8 = vector.load %arg0[%get3A_6, %get3A_7] : memref<10240x128xf32, #tpu.memory_space<vmem>>, vector<10240x128xf32>
    %get3A_9 = arith.constant 0 : index
    %get3A_10 = arith.constant 0 : index
    %get3A_11 = vector.load %arg1[%get3A_9, %get3A_10] : memref<128x16xf32, #tpu.memory_space<vmem>>, vector<128x16xf32>
    %dot_general3A = arith.constant dense<0.000000e+00> : vector<10240x16xf32>
    %dot_general3A_12 = tpu.matmul %get3A_8, %get3A_11, %dot_general3A {dimension_numbers = #tpu.dot_dimension_numbers<[1], [0], [0], [1], [0, 0, 1, 1], [], []>, transpose_lhs_hint = false} : vector<10240x128xf32>, vector<128x16xf32>, vector<10240x16xf32> -> vector<10240x16xf32>
    %mul3A = vector.broadcast %rsqrt3A : vector<10240x1xf32> to vector<10240x16xf32>
    %mul3A_13 = arith.mulf %dot_general3A_12, %mul3A : vector<10240x16xf32>
    %swap3A_14 = arith.constant 0 : index
    %swap3A_15 = arith.constant 0 : index
    %swap3A_16 = vector.load %arg4[%swap3A_14, %swap3A_15] : memref<10240x16xf32, #tpu.memory_space<vmem>>, vector<10240x16xf32>
    tpu.vector_store %arg4[%swap3A_14, %swap3A_15], %mul3A_13 {strides = array<i32>} : memref<10240x16xf32, #tpu.memory_space<vmem>>, vector<10240x16xf32>,
    return
  }
}

module attributes {stable_mosaic.version = 14 : i64} {
  func.func @_tc_d_body(%arg0: memref<10240x16xf32, #tpu.memory_space<vmem>>, %arg1: memref<10240x16xf32, #tpu.memory_space<vmem>>, %arg2: memref<10240x1xf32, #tpu.memory_space<vmem>>, %arg3: memref<1x16xf32, #tpu.memory_space<vmem>>, %arg4: memref<16x32xf32, #tpu.memory_space<vmem>>, %arg5: memref<1x32xf32, #tpu.memory_space<vmem>>, %arg6: memref<32x64xf32, #tpu.memory_space<vmem>>, %arg7: memref<1x64xf32, #tpu.memory_space<vmem>>, %arg8: memref<64x1xf32, #tpu.memory_space<vmem>>, %arg9: memref<1x1xf32, #tpu.memory_space<vmem>>, %arg10: memref<10240x1xf32, #tpu.memory_space<vmem>>, %arg11: memref<8x16xf32, #tpu.memory_space<vmem>>) attributes {dimension_semantics = [], scalar_prefetch = 0 : i64, scratch_operands = 0 : i64, tpu.core_type = #tpu.core_type<tc>} {
    %get3A = arith.constant 0 : index
    %get3A_0 = arith.constant 0 : index
    %get3A_1 = vector.load %arg6[%get3A, %get3A_0] : memref<32x64xf32, #tpu.memory_space<vmem>>, vector<32x64xf32>
    %get3A_2 = arith.constant 0 : index
    %get3A_3 = arith.constant 0 : index
    %get3A_4 = vector.load %arg8[%get3A_2, %get3A_3] : memref<64x1xf32, #tpu.memory_space<vmem>>, vector<64x1xf32>
    %dot_general3A = arith.constant dense<0.000000e+00> : vector<32x1xf32>
    %dot_general3A_5 = tpu.matmul %get3A_1, %get3A_4, %dot_general3A {dimension_numbers = #tpu.dot_dimension_numbers<[1], [0], [0], [1], [0, 0, 1, 1], [], []>, transpose_lhs_hint = false} : vector<32x64xf32>, vector<64x1xf32>, vector<32x1xf32> -> vector<32x1xf32>
    %get3A_6 = arith.constant 0 : index
    %get3A_7 = arith.constant 0 : index
    %get3A_8 = vector.load %arg4[%get3A_6, %get3A_7] : memref<16x32xf32, #tpu.memory_space<vmem>>, vector<16x32xf32>
    %dot_general3A_9 = arith.constant dense<0.000000e+00> : vector<16x1xf32>
    %dot_general3A_10 = tpu.matmul %get3A_8, %dot_general3A_5, %dot_general3A_9 {dimension_numbers = #tpu.dot_dimension_numbers<[1], [0], [0], [1], [0, 0, 1, 1], [], []>, transpose_lhs_hint = false} : vector<16x32xf32>, vector<32x1xf32>, vector<16x1xf32> -> vector<16x1xf32>
    %get3A_11 = arith.constant 0 : index
    %get3A_12 = arith.constant 0 : index
    %get3A_13 = vector.load %arg5[%get3A_11, %get3A_12] : memref<1x32xf32, #tpu.memory_space<vmem>>, vector<1x32xf32>
    %dot_general3A_14 = arith.constant dense<0.000000e+00> : vector<1x1xf32>
    %dot_general3A_15 = tpu.matmul %get3A_13, %dot_general3A_5, %dot_general3A_14 {dimension_numbers = #tpu.dot_dimension_numbers<[1], [0], [0], [1], [0, 0, 1, 1], [], []>, transpose_lhs_hint = false} : vector<1x32xf32>, vector<32x1xf32>, vector<1x1xf32> -> vector<1x1xf32>
    %get3A_16 = arith.constant 0 : index
    %get3A_17 = arith.constant 0 : index
    %get3A_18 = vector.load %arg7[%get3A_16, %get3A_17] : memref<1x64xf32, #tpu.memory_space<vmem>>, vector<1x64xf32>
    %get3A_19 = arith.constant 0 : index
    %get3A_20 = arith.constant 0 : index
    %get3A_21 = vector.load %arg8[%get3A_19, %get3A_20] : memref<64x1xf32, #tpu.memory_space<vmem>>, vector<64x1xf32>
    %dot_general3A_22 = arith.constant dense<0.000000e+00> : vector<1x1xf32>
    %dot_general3A_23 = tpu.matmul %get3A_18, %get3A_21, %dot_general3A_22 {dimension_numbers = #tpu.dot_dimension_numbers<[1], [0], [0], [1], [0, 0, 1, 1], [], []>, transpose_lhs_hint = false} : vector<1x64xf32>, vector<64x1xf32>, vector<1x1xf32> -> vector<1x1xf32>
    %get3A_24 = arith.constant 0 : index
    %get3A_25 = arith.constant 0 : index
    %get3A_26 = vector.load %arg9[%get3A_24, %get3A_25] : memref<1x1xf32, #tpu.memory_space<vmem>>, vector<1x1xf32>
    %add3A = arith.addf %dot_general3A_23, %get3A_26 : vector<1x1xf32>
    %get3A_27 = arith.constant 0 : index
    %get3A_28 = arith.constant 0 : index
    %get3A_29 = vector.load %arg2[%get3A_27, %get3A_28] : memref<10240x1xf32, #tpu.memory_space<vmem>>, vector<10240x1xf32>
    %get3A_30 = arith.constant 0 : index
    %get3A_31 = arith.constant 0 : index
    %get3A_32 = vector.load %arg0[%get3A_30, %get3A_31] : memref<10240x16xf32, #tpu.memory_space<vmem>>, vector<10240x16xf32>
    %get3A_33 = arith.constant 0 : index
    %get3A_34 = arith.constant 0 : index
    %get3A_35 = vector.load %arg1[%get3A_33, %get3A_34] : memref<10240x16xf32, #tpu.memory_space<vmem>>, vector<10240x16xf32>
    %add3A_36 = arith.addf %get3A_32, %get3A_35 : vector<10240x16xf32>
    %mul3A = vector.broadcast %get3A_29 : vector<10240x1xf32> to vector<10240x16xf32>
    %mul3A_37 = arith.mulf %add3A_36, %mul3A : vector<10240x16xf32>
    %get3A_38 = arith.constant 0 : index
    %get3A_39 = arith.constant 0 : index
    %get3A_40 = vector.load %arg3[%get3A_38, %get3A_39] : memref<1x16xf32, #tpu.memory_space<vmem>>, vector<1x16xf32>
    %add3A_41 = vector.broadcast %get3A_40 : vector<1x16xf32> to vector<10240x16xf32>
    %add3A_42 = arith.addf %mul3A_37, %add3A_41 : vector<10240x16xf32>
    %max3A = arith.constant 0.000000e+00 : f32
    %max3A_43 = vector.broadcast %max3A : f32 to vector<10240x16xf32>
    %max3A_44 = arith.maximumf %add3A_42, %max3A_43 : vector<10240x16xf32>
    %dot_general3A_45 = arith.constant dense<0.000000e+00> : vector<10240x1xf32>
    %dot_general3A_46 = tpu.matmul %max3A_44, %dot_general3A_10, %dot_general3A_45 {dimension_numbers = #tpu.dot_dimension_numbers<[1], [0], [0], [1], [0, 0, 1, 1], [], []>, transpose_lhs_hint = false} : vector<10240x16xf32>, vector<16x1xf32>, vector<10240x1xf32> -> vector<10240x1xf32>
    %mul3A_47 = arith.mulf %dot_general3A_46, %get3A_29 : vector<10240x1xf32>
    %swap3A = arith.constant 0 : index
    %swap3A_48 = arith.constant 0 : index
    %swap3A_49 = vector.load %arg10[%swap3A, %swap3A_48] : memref<10240x1xf32, #tpu.memory_space<vmem>>, vector<10240x1xf32>
    tpu.vector_store %arg10[%swap3A, %swap3A_48], %mul3A_47 {strides = array<i32>} : memref<10240x1xf32, #tpu.memory_space<vmem>>, vector<10240x1xf32>,
    %broadcast_in_dim3A = vector.shape_cast %dot_general3A_15 : vector<1x1xf32> to vector<1x1xf32>
    %broadcast_in_dim3A_50 = vector.broadcast %broadcast_in_dim3A : vector<1x1xf32> to vector<4x16xf32>
    %broadcast_in_dim3A_51 = vector.shape_cast %add3A : vector<1x1xf32> to vector<1x1xf32>
    %broadcast_in_dim3A_52 = vector.broadcast %broadcast_in_dim3A_51 : vector<1x1xf32> to vector<4x16xf32>
    %concatenate3A = tpu.concatenate %broadcast_in_dim3A_50, %broadcast_in_dim3A_52 in 0 : vector<4x16xf32>, vector<4x16xf32> -> vector<8x16xf32>
    %swap3A_53 = arith.constant 0 : index
    %swap3A_54 = arith.constant 0 : index
    %swap3A_55 = vector.load %arg11[%swap3A_53, %swap3A_54] : memref<8x16xf32, #tpu.memory_space<vmem>>, vector<8x16xf32>
    tpu.vector_store %arg11[%swap3A_53, %swap3A_54], %concatenate3A {strides = array<i32>} : memref<8x16xf32, #tpu.memory_space<vmem>>, vector<8x16xf32>,
    return
  }
}

</mosaic_0001>

<sc_bundles>
// kernel: kernel.10.cloned.1.call-start
scs
__scs_entry_jumppad:
0x0: {  	(pc) =	sbr.rel $0x88, $3  }
0x1: {  	(tag) =	ssettag $0x0;
	lr =	simm.s32 $0x1  }
0x2: {  	[smem:$0x3F97] =	sst lr;
	_ =	strace $0xD0000000  }
0x3: {  	_ = 	snop  }
0x4: {  	_ = 	snop  }
0x5: {  	_ = 	snop  }
0x6: {  	_ = 	snop  }
0x7: {  	_ = 	snop  }
__scs_overlays_trampoline_lowered:
0x8: {  	[smem:$0x3FA6] =	sst s0  }
0x9: {  	[smem:$0x3FA7] =	sst s1  }
0xa: {  	[smem:$0x3FA8] =	sst s2  }
0xb: {  	[smem:$0x3FA9] =	sst s3  }
0xc: {  	[smem:$0x3FAA] =	sst s4  }
0xd: {  	[smem:$0x3FAB] =	sst s5  }
0xe: {  	[smem:$0x3FAC] =	sst s6  }
0xf: {  	[smem:$0x3FAD] =	sst s7  }
0x10: {  	[smem:$0x3FAE] =	sst s8  }
0x11: {  	[smem:$0x3FAF] =	sst s9;
	s0 =	simm.s32 @!p0 $0x0  }
0x12: {  	s1 =	sld [smem:$0x3F95];
	s0 =	simm.s32 @p0 $0x1  }
0x13: {  	[smem:$0x3FB0] =	sst s0;
	s0 =	simm.s32 @!p1 $0x0  }
0x14: {  	s2 =	sld [smem:$0x3F94];
	s0 =	simm.s32 @p1 $0x1  }
0x15: {  	[smem:$0x3FB1] =	sst s0;
	s0 =	simm.s32 @!p2 $0x0  }
0x16: {  	s3 =	sld [smem:$0x3FDB];
	s0 =	simm.s32 @p2 $0x1  }
0x17: {  	s4 =	simm.s32 $0x1BF5;
	[smem:$0x3FB3] =	sst s0  }
0x18: {  	s0 =	sld [smem:$0x3F96];
	_ =	swait.ge [sflag:s4], $0x0  }
0x19: {  	s7 =	sld [smem:$0x3F97]  }
0x1a: {  	s8 =	sadd.s32 $0xFFFFE003, lr  }
0x1b: {  	s9 =	sadd.s32 $0xFFFFFEF7, lr;
	s5 =	simm.s32 $0xFFFFFFFF;
	p2 =	slt.u32 s8, $0xFFFFF086  }
0x1c: {  	p1 =	slt.u32 s9, $0xF7A;
	s5 =	simm.s32 @!p2 $0x0  }
0x1d: {  	s5 =	simm.s32 @p1 $0x1;
	p0 =	seq.s32 s7, s2  }
0x1e: {  	s7 =	smul.u32 @!p0 $0xF7A, s2;
	p2 =	seq.s32 @!p0 s5, $0x0  }
0x1f: {  	s9 =	smul.u32 $0xF7A, s1;
	s8 =	simm.s32 @!p0 $0x1BF5;
	p2 =	por !p2, p0  }
0x20: {  	[sflag:s8] =	ssyncset.s32 @!p0 $0xFFFFF086;
	s6 =	sadd.s32 @!p0 s3, s7;
	s7 =	simm.s32 @!p0 $0x108  }
0x21: {  	s3 =	sadd.s32 s3, s9;
	s6 =	sadd.s32 @!p0 $0x88, s6;
	s7 =	simm.s32 @p2 $0x1082  }
0x22: {  	[simem:s7], [sflag:s8] =	dma.local @!p0 [hbm:s6], $0xF7A  }
0x23: {  	s9 =	sor.u32 $0xD0000000, s2;
	s6 =	simm.s32 $0x108;
	_ =	swait.ge @!p0 [sflag:s8], $0x0  }
0x24: {  	s3 =	sadd.s32 $0x88, s3;
	s6 =	simm.s32 @!p1 $0x1082;
	[sflag:s4] =	ssyncset.s32 $0xFFFFF086  }
0x25: {  	[simem:s6], [sflag:s4] =	dma.local [hbm:s3], $0xF7A  }
0x26: {  	[smem:$0x3F97] =	sst s1;
	(tag) =	ssettag s2;
	_ =	strace s9  }
0x27: {  	s1 =	sld [smem:$0x3FA7]  }
0x28: {  	s2 =	sld [smem:$0x3FA8]  }
0x29: {  	s4 =	sld [smem:$0x3FAA]  }
0x2a: {  	p0 =	seq.s32 s5, $0x0;
	s5 =	sld [smem:$0x3FAB]  }
0x2b: {  	s6 =	sld [smem:$0x3FAC]  }
0x2c: {  	s7 =	sld [smem:$0x3FAD]  }
0x2d: {  	s3 =	simm.s32 $0x108;
	s8 =	sld [smem:$0x3FAE]  }
0x2e: {  	s3 =	simm.s32 @!p0 $0x1082;
	s9 =	sld [smem:$0x3FAF]  }
0x2f: {  	lr =	sadd.s32 s0, s3;
	s0 =	sld [smem:$0x3FA6]  }
0x30: {  	s3 =	sld [smem:$0x3FA9]  }
0x31: {  	[smem:$0x3FB2] =	sst s10  }
0x32: {  	s10 =	sld [smem:$0x3FB0];
	_ =	sdelay $0x3  }
0x33: {  	p0 =	seq.s32 s10, $0x1;
	s10 =	sld [smem:$0x3FB2];
	_ =	sdelay $0x3  }
0x34: {  	[smem:$0x3FB2] =	sst s10  }
0x35: {  	s10 =	sld [smem:$0x3FB1];
	_ =	sdelay $0x3  }
0x36: {  	p1 =	seq.s32 s10, $0x1;
	s10 =	sld [smem:$0x3FB2];
	_ =	sdelay $0x3  }
0x37: {  	[smem:$0x3FB2] =	sst s10  }
0x38: {  	s10 =	sld [smem:$0x3FB3]  }
0x39: {  	_ = 	snop;
	(pc) =	sbr.ind lr, $3  }
0x3a: {  	_ = 	snop  }
0x3b: {  	_ = 	snop  }
0x3c: {  	p2 =	seq.s32 s10, $0x1;
	s10 =	sld [smem:$0x3FB2]  }
0x3d: {  	_ =	shalt  }
0x3e: {  	_ =	shalt  }
0x3f: {  	_ =	shalt  }
0x40: {  	_ =	shalt  }
0x41: {  	_ =	shalt  }
0x42: {  	_ =	shalt  }
0x43: {  	_ =	shalt  }
0x44: {  	_ =	shalt  }
0x45: {  	_ =	shalt  }
0x46: {  	_ =	shalt  }
0x47: {  	_ =	shalt  }
0x48: {  	_ =	shalt  }
0x49: {  	_ =	shalt  }
0x4a: {  	_ =	shalt  }
0x4b: {  	_ =	shalt  }
0x4c: {  	_ =	shalt  }
0x4d: {  	_ =	shalt  }
0x4e: {  	_ =	shalt  }
0x4f: {  	_ =	shalt  }
0x50: {  	_ =	shalt  }
0x51: {  	_ =	shalt  }
0x52: {  	_ =	shalt  }
0x53: {  	_ =	shalt  }
0x54: {  	_ =	shalt  }
0x55: {  	_ =	shalt  }
0x56: {  	_ =	shalt  }
0x57: {  	_ =	shalt  }
0x58: {  	_ =	shalt  }
0x59: {  	_ =	shalt  }
0x5a: {  	_ =	shalt  }
0x5b: {  	_ =	shalt  }
0x5c: {  	_ =	shalt  }
0x5d: {  	_ =	shalt  }
0x5e: {  	_ =	shalt  }
0x5f: {  	_ =	shalt  }
0x60: {  	_ =	shalt  }
0x61: {  	_ =	shalt  }
0x62: {  	_ =	shalt  }
0x63: {  	_ =	shalt  }
0x64: {  	_ =	shalt  }
0x65: {  	_ =	shalt  }
0x66: {  	_ =	shalt  }
0x67: {  	_ =	shalt  }
0x68: {  	_ =	shalt  }
0x69: {  	_ =	shalt  }
0x6a: {  	_ =	shalt  }
0x6b: {  	_ =	shalt  }
0x6c: {  	_ =	shalt  }
0x6d: {  	_ =	shalt  }
0x6e: {  	_ =	shalt  }
0x6f: {  	_ =	shalt  }
0x70: {  	_ =	shalt  }
0x71: {  	_ =	shalt  }
0x72: {  	_ =	shalt  }
0x73: {  	_ =	shalt  }
0x74: {  	_ =	shalt  }
0x75: {  	_ =	shalt  }
0x76: {  	_ =	shalt  }
0x77: {  	_ =	shalt  }
0x78: {  	_ =	shalt  }
0x79: {  	_ =	shalt  }
0x7a: {  	_ =	shalt  }
0x7b: {  	_ =	shalt  }
0x7c: {  	_ =	shalt  }
0x7d: {  	_ =	shalt  }
0x7e: {  	_ =	shalt  }
0x7f: {  	_ =	shalt  }
0x80: {  	_ =	shalt  }
0x81: {  	_ =	shalt  }
0x82: {  	_ =	shalt  }
0x83: {  	_ =	shalt  }
0x84: {  	_ =	shalt  }
0x85: {  	_ =	shalt  }
0x86: {  	_ =	shalt  }
0x87: {  	_ =	shalt  }
.Lfunc_end0:
.L_simem_size_0:
called_computation.1_lowered:
.L_overlay_start_0:
0x88: {  	s2 =	sld [smem:$0x3FD9]  }
0x89: {  	s3 =	sld [smem:$0x3FFE];
	_ =	sdelay $0x1  }
0x8a: {  	s1 =	srdreg.scid  }
0x8b: {  	s0 =	sand.u32 $0x1, s1  }
0x8c: {  	s16 =	sshll.u32 s0, $0xA;
	s2 =	sadd.s32 s3, s2  }
0x8d: {  	s2 =	sadd.s32 s2, s16  }
0x8e: {  	[smem:$0x3FBE] =	sst s2  }
0x8f: {  	_ = 	snop  }
0x90: {  	(tm) =	ssettm $0x1  }
0x91: {  	s17 =	sld [smem:$0x3FFB];
	_ =	sdelay $0x3  }
0x92: {  	_ =	strace s17  }
0x93: {  	s2 =	sld [smem:$0x3FFC];
	_ =	sdelay $0x3  }
0x94: {  	_ =	strace s2  }
0x95: {  	s2 =	sld [smem:$0x3FFD];
	_ =	sdelay $0x3  }
0x96: {  	_ =	strace s2  }
0x97: {  	_ =	strace $0x8FFFFFFF  }
0x98: {  	s18 =	sld [smem:$0x3FDB];
	_ =	sdelay $0x1  }
0x99: {  	s19 =	simm.s32 $_scs_section_size  }
0x9a: {  	s4 =	simm.s32 $_size__tile_overlayer_lowered;
	s5 =	simm.s32 $_tile_overlayer_lowered  }
0x9b: {  	s22 =	simm.s32 $0x1BFF;
	s21 =	sshll.u32 s5, $0x1;
	s2 =	sadd.s32 s19, s18  }
0x9c: {  	s6 =	simm.s32 $0x0;
	s20 =	sshll.u32 s4, $0x1;
	s4 =	sadd.s32 s21, s2  }
0x9d: {  	[timem:s6], [sflag:s22] =	dma.local [hbm:s4], s20  }
0x9e: {  	_ =	swait.ge [sflag:s22], s20  }
0x9f: {  	s3 =	ssub.s32 $0x0, s20;
	[sflag:s22] =	ssyncset.done $0x0  }
0xa0: {  	[sflag:s22] =	ssyncadd.s32 s3;
	_ =	sdelay $0x1  }
0xa1: {  	s23 =	simm.s32 $0x1B8B  }
0xa2: {  	_ =	swait.ge [sflag:s23], $0x1  }
0xa3: {  	[sflag:s23] =	ssyncset.done $0x0  }
0xa4: {  	s25 =	simm.s32 $0x1B8E;
	s24 =	sld [smem:$0x3FFE];
	[sflag:s23] =	ssyncadd.s32 $0xFFFFFFFF  }
0xa5: {  	s26 =	simm.s32 $execute0_lowered;
	[smem:$0x3FD2] =	sst s25  }
0xa6: {  	s4 =	sshll.u32 s26, $0x1;
	_ =	strace $0x80000049;
	[dreg:$0x1] =	wrdreg $0xFFFFFFFF  }
0xa7: {  	s28 =	simm.s32 $_size_execute0_lowered;
	s2 =	sadd.s32 s2, s4;
	[dreg:$0x0] =	wrdreg $0x0  }
0xa8: {  	s4 =	sshll.u32 s28, $0x1;
	[dreg:$0x2] =	wrdreg s2  }
0xa9: {  	[dreg:$0x3] =	wrdreg s4  }
0xaa: {  	[dreg:$0x4] =	wrdreg $0xC0  }
0xab: {  	_ =	task [dreg:s6], $0x5FFFF  }
0xac: {  	[dreg:$0x1] =	wrdreg $0xFFFFFFFF  }
0xad: {  	[dreg:$0x0] =	wrdreg $0x60  }
0xae: {  	[dreg:$0x2] =	wrdreg s24  }
0xaf: {  	[dreg:$0x3] =	wrdreg $0x0  }
0xb0: {  	[dreg:$0x4] =	wrdreg $0x14000  }
0xb1: {  	[dreg:$0x5] =	wrdreg $0x9  }
0xb2: {  	_ =	task.clear_ibuf [dreg:s6], $0x6FFFF;
	_ =	strace $0x90000049  }
0xb3: {  	s29 =	simm.s32 $0x9;
	_ =	strace $0x8000004B  }
0xb4: {  	_ =	swait.ge [sflag:s29], $0x1  }
0xb5: {  	[sflag:s29] =	ssyncadd.s32 $0xFFFFFFFF  }
0xb6: {  	_ =	strace $0x9000004B  }
0xb7: {  	_ =	sfence  }
0xb8: {  	s30 =	sld [smem:$0x0];
	_ =	sdelay $0x2  }
0xb9: {  	s31 =	sshll.u32 s1, $0xD;
	s1 =	sshrl.u32 s1, $0x2  }
0xba: {  	s3 =	sand.u32 $0x4000, s31;
	s1 =	sadd.s32 s1, s30  }
0xbb: {  	s0 =	sor.u32 s3, s0;
	s1 =	sshll.u32 s1, $0x11  }
0xbc: {  	s0 =	sor.u32 s1, s0  }
0xbd: {  	s0 =	sadd.s32 $0x8F2B, s0  }
0xbe: {  	[sflag:s0] =	ssyncadd.remote.s32 $0x1  }
0xbf: {  	_ =	sfence.sel $0xFFFF  }
0xc0: {  	[dreg:$0x0] =	wrdreg $0xFFFFFFFF;
	(pc) =	sbr.abs _section_cstart, $3  }
0xc1: {  	[dreg:$0x1] =	wrdreg $0xFFFFFFFF  }
0xc2: {  	_ =	task.clear_ibuf [dreg:s6], $0x2FFFF;
	_ =	strace $0x9FFFFFFF  }
0xc3: {  	(tm) =	ssettm $0x7FFFFFFF  }
tec
execute0_lowered:
.L_overlay_start_1:
0x0: {  	(tag) =	ssettag $0x1  }
0x1: {  	s5 =	rddreg [dreg:$0x0]  }
0x2: {  	s1 =	rddreg [dreg:$0x1]  }
0x3: {  	s2 =	rddreg [dreg:$0x2]  }
0x4: {  	s0 =	rddreg [dreg:$0x3];
	s4 =	simm.s32 $0x0  }
0x5: {  	s3 =	stileid.u32;
	s7 =	srdreg.scid;
	s18 =	simm.s32 $0xC800  }
0x6: {  	s19 =	simm.s32 $0x0;
	[smem:$0x7FF] =	sst s4;
	s6 =	smul.u32 $0xA00, s3  }
0x7: {  	s9 =	sadd.s32 $0x3E200, s5;
	s10 =	sadd.s32 $0x16200, s5;
	s11 =	smul.u32 $0x2800, s3  }
0x8: {  	s7 =	sand.u32 $0x1, s7;
	s12 =	smul.u32 $0x50000, s3;
	s14 =	sadd.s32 $0x8E200, s5  }
0x9: {  	s16 =	sadd.s32 $0xB6200, s5;
	s31 =	sshll.u32 s3, $0x6;
	_ =	strace $0x8000004A  }
0xa: {  	s29 =	ssub.s32 $0x2, s7;
	p0 =	seq.s32 s7, $0x0;
	s8 =	sadd.s32 s6, s5  }
0xb: {  	s13 =	sadd.s32 s11, s5;
	s15 =	sshrl.u32 s29, $0x1;
	s30 =	sshrl.u32 s12, $0x2  }
0xc: {  	s10 =	smov.u32 @p0 s9;
	s16 =	smov.u32 @p0 s14;
	s15 =	ssub.s32 s29, s15  }
0xd: {  	s12 =	sadd.s32 s30, s1;
	s17 =	sadd.s32 s30, s2;
	s5 =	sadd.s32 $0x66200, s13  }
0xe: {  	s6 =	sadd.s32 $0xC200, s8;
	s7 =	sadd.s32 $0x1600, s8;
	s9 =	sadd.s32 s10, s11  }
0xf: {  	s10 =	sor.u32 $0x1C01, s31;
	s11 =	sadd.s32 s16, s11;
	s13 =	simm.s32 $0x1  }
0x10: {  	s16 =	simm.s32 $0x7800;
	s8 =	smax.u32 s15, $0x1;
	s12 =	sshrl.u32 s12, $0x3  }
0x11: {  	s14 =	sshrl.u32 s17, $0x3;
	s15 =	simm.s32 $0x2800;
	s17 =	simm.s32 $0x80  }
.LBB2_1:
0x12: {  	[spmem:s12], [sflag:s10] =	dma.local [hbm:s9], $0x2800  }
0x13: {  	_ =	swait.ge [sflag:s13], $0x2800  }
0x14: {  	[sflag:s13] =	ssyncset.done $0x0  }
0x15: {  	[sflag:s13] =	ssyncadd.s32 $0xFFFFD800  }
0x16: {  	[spmem:s14], [sflag:s10] =	dma.local [hbm:s5], $0x2800  }
0x17: {  	_ =	swait.ge [sflag:s13], $0x2800  }
0x18: {  	[sflag:s13] =	ssyncset.done $0x0  }
0x19: {  	[sflag:s13] =	ssyncadd.s32 $0xFFFFD800  }
0x1a: {  	[tilespmem:s15], [sflag:$0x1] =	stream.linear.gather [hbm4b:s6+s4], $0x5000, $0x38;
	[tilespmem:$0x10800] =	vst v63  }
0x1b: {  	_ =	swait.ge [sflag:s13], $0x5000  }
0x1c: {  	[sflag:s13] =	ssyncset.done $0x0  }
0x1d: {  	[sflag:s13] =	ssyncadd.s32 $0xFFFFB000  }
0x1e: {  	[tilespmem:s16], [sflag:$0x1] =	stream.linear.gather [hbm4b:s7+s4], $0x5000, $0x38;
	[tilespmem:$0x10800] =	vst v63  }
0x1f: {  	_ =	swait.ge [sflag:s13], $0x5000  }
0x20: {  	[sflag:s13] =	ssyncset.done $0x0  }
0x21: {  	[sflag:s13] =	ssyncadd.s32 $0xFFFFB000  }
0x22: {  	s20 =	simm.s32 $0x2800;
	[bflag:$0x0] =	sbarrier.arrive $0xFFFF  }
0x23: {  	[tilespmem:s18], [sflag:$0x1] =	stream.indirect.gather [spmem:s1], $0x8, s20, s17, $0xb8;
	[tilespmem:$0x10800] =	vst v63  }
0x24: {  	_ =	swait.ge [sflag:s13], $0x400  }
0x25: {  	[sflag:s13] =	ssyncset.done $0x0  }
0x26: {  	s31 =	simm.s32 $0x7800;
	[sflag:s13] =	ssyncadd.s32 $0xFFFFFC00  }
0x27: {  	[spmem:s2] =	stream.indirect.scatter.add.f32 [tilespmem:s18], [sflag:$0x1], $0x8, s31, s17, $0xb8;
	[tilespmem:$0x10800] =	vst v63  }
0x28: {  	_ =	swait.ge [sflag:s13], $0x400  }
0x29: {  	s21 =	simm.s32 $0x400;
	s20 =	simm.s32 $0x80;
	[sflag:s13] =	ssyncset.done $0x0  }
.LBB2_2:
0x2a: {  	s22 =	sadd.s32 $0x2800, s20  }
0x2b: {  	[sflag:s13] =	ssyncadd.s32 $0xFFFFFC00;
	s23 =	smov.u32 s21;
	s24 =	sadd.s32 $0x200, s21  }
0x2c: {  	[tilespmem:s18], [sflag:$0x1] =	stream.indirect.gather [spmem:s1], $0x8, s22, s17, $0xb8;
	[tilespmem:$0x10800] =	vst v63  }
0x2d: {  	p0 =	sne.s32 s21, $0x13E00;
	_ =	swait.ge [sflag:s13], $0x400  }
.Ltmp0:
0x2e: {  	[sflag:s13] =	ssyncset.done $0x0;
	(pc) =	sbr.rel @p0 .LBB2_2-.Ltmp0, $4  }
0x2f: {  	s20 =	sadd.s32 $0x7800, s20;
	[sflag:s13] =	ssyncadd.s32 $0xFFFFFC00  }
0x30: {  	[spmem:s2] =	stream.indirect.scatter.add.f32 [tilespmem:s18], [sflag:$0x1], $0x8, s20, s17, $0xb8;
	[tilespmem:$0x10800] =	vst v63  }
0x31: {  	_ =	swait.ge [sflag:s13], $0x400  }
0x32: {  	s21 =	smov.u32 s24;
	s20 =	sshra.s32 s23, $0x2;
	[sflag:s13] =	ssyncset.done $0x0  }
0x33: {  	s21 =	sadd.s32 $0x2800, s20;
	[sflag:s13] =	ssyncadd.s32 $0xFFFFFC00  }
0x34: {  	[tilespmem:s18], [sflag:$0x1] =	stream.indirect.gather [spmem:s1], $0x8, s21, s17, $0xb8;
	[tilespmem:$0x10800] =	vst v63  }
0x35: {  	_ =	swait.ge [sflag:s13], $0x400  }
0x36: {  	[sflag:s13] =	ssyncset.done $0x0  }
0x37: {  	s31 =	sadd.s32 $0x7800, s20;
	[sflag:s13] =	ssyncadd.s32 $0xFFFFFC00  }
0x38: {  	[spmem:s2] =	stream.indirect.scatter.add.f32 [tilespmem:s18], [sflag:$0x1], $0x8, s31, s17, $0xb8;
	[tilespmem:$0x10800] =	vst v63  }
0x39: {  	_ =	swait.ge [sflag:s13], $0x400  }
0x3a: {  	s19 =	sadd.s32 $0x1, s19;
	[sflag:s13] =	ssyncset.done $0x0  }
0x3b: {  	p0 =	sne.s32 s19, s8;
	[sflag:s13] =	ssyncadd.s32 $0xFFFFFC00  }
.Ltmp1:
0x3c: {  	[bflag:$0x0] =	sbarrier.arrive $0xFFFF;
	(pc) =	sbr.rel @p0 .LBB2_1-.Ltmp1, $4  }
0x3d: {  	[hbm:s11], [sflag:s10] =	dma.local [spmem:s14], $0x2800  }
0x3e: {  	_ =	swait.ge [sflag:s13], $0x2800  }
0x3f: {  	[sflag:s13] =	ssyncset.done $0x0  }
0x40: {  	[sflag:s13] =	ssyncadd.s32 $0xFFFFD800  }
0x41: {  	_ =	sfence.sel $0x180000  }
0x42: {  	[bflag:$0x0] =	sbarrier.arrive $0xFFFF  }
0x43: {  	p0 =	sne.s32 s3, $0x0;
	_ =	strace $0x9000004A  }
0x44: {  	s0 =	sadd.s32 @!p0 $0x100000, s0;
	[bflag:$0x2] =	sbarrier.arrive $0xFFFF  }
0x45: {  	[sflag:s0] =	ssyncadd.tile.s32 @!p0 $0x1;
	_ =	shalt  }
.Lfunc_end2:
_tile_overlayer_lowered:
.L_overlay_start_2:
0x46: {  	(tag) =	ssettag $0x2  }
0x47: {  	s0 =	rddreg [dreg:$0x0];
	s2 =	stileid.u32  }
0x48: {  	s1 =	rddreg [dreg:$0x1];
	p0 =	sne.s32 s2, $0x0  }
0x49: {  	s3 =	rddreg [dreg:$0x2];
	[bflag:$0x3] =	sbarrier.arrive $0xFFFF;
	s2 =	simm.s32 @!p0 $0x1C01  }
0x4a: {  	[timem:s3], [sflag:s2] =	dma.local @!p0 [hbm:s0], s1  }
0x4b: {  	s0 =	simm.s32 @!p0 $0x1  }
0x4c: {  	_ =	swait.ge @!p0 [sflag:s0], s1  }
0x4d: {  	s1 =	ssub.s32 @!p0 $0x0, s1;
	[sflag:s0] =	ssyncset.done @!p0 $0x0  }
0x4e: {  	[sflag:s0] =	ssyncadd.s32 @!p0 s1  }
0x4f: {  	[bflag:$0x3] =	sbarrier.arrive $0xFFFF  }
0x50: {  	_ =	shalt  }

// kernel: kernel.13.cloned.1.call-start
scs
__scs_entry_jumppad:
0x0: {  	(pc) =	sbr.rel $0x88, $3  }
0x1: {  	(tag) =	ssettag $0x0;
	lr =	simm.s32 $0x1  }
0x2: {  	[smem:$0x3F97] =	sst lr;
	_ =	strace $0xD0000000  }
0x3: {  	_ = 	snop  }
0x4: {  	_ = 	snop  }
0x5: {  	_ = 	snop  }
0x6: {  	_ = 	snop  }
0x7: {  	_ = 	snop  }
__scs_overlays_trampoline_lowered:
0x8: {  	[smem:$0x3FA6] =	sst s0  }
0x9: {  	[smem:$0x3FA7] =	sst s1  }
0xa: {  	[smem:$0x3FA8] =	sst s2  }
0xb: {  	[smem:$0x3FA9] =	sst s3  }
0xc: {  	[smem:$0x3FAA] =	sst s4  }
0xd: {  	[smem:$0x3FAB] =	sst s5  }
0xe: {  	[smem:$0x3FAC] =	sst s6  }
0xf: {  	[smem:$0x3FAD] =	sst s7  }
0x10: {  	[smem:$0x3FAE] =	sst s8  }
0x11: {  	[smem:$0x3FAF] =	sst s9;
	s0 =	simm.s32 @!p0 $0x0  }
0x12: {  	s1 =	sld [smem:$0x3F95];
	s0 =	simm.s32 @p0 $0x1  }
0x13: {  	[smem:$0x3FB0] =	sst s0;
	s0 =	simm.s32 @!p1 $0x0  }
0x14: {  	s2 =	sld [smem:$0x3F94];
	s0 =	simm.s32 @p1 $0x1  }
0x15: {  	[smem:$0x3FB1] =	sst s0;
	s0 =	simm.s32 @!p2 $0x0  }
0x16: {  	s3 =	sld [smem:$0x3FDB];
	s0 =	simm.s32 @p2 $0x1  }
0x17: {  	s4 =	simm.s32 $0x1BF5;
	[smem:$0x3FB3] =	sst s0  }
0x18: {  	s0 =	sld [smem:$0x3F96];
	_ =	swait.ge [sflag:s4], $0x0  }
0x19: {  	s7 =	sld [smem:$0x3F97]  }
0x1a: {  	s8 =	sadd.s32 $0xFFFFE003, lr  }
0x1b: {  	s9 =	sadd.s32 $0xFFFFFEF7, lr;
	s5 =	simm.s32 $0xFFFFFFFF;
	p2 =	slt.u32 s8, $0xFFFFF086  }
0x1c: {  	p1 =	slt.u32 s9, $0xF7A;
	s5 =	simm.s32 @!p2 $0x0  }
0x1d: {  	s5 =	simm.s32 @p1 $0x1;
	p0 =	seq.s32 s7, s2  }
0x1e: {  	s7 =	smul.u32 @!p0 $0xF7A, s2;
	p2 =	seq.s32 @!p0 s5, $0x0  }
0x1f: {  	s9 =	smul.u32 $0xF7A, s1;
	s8 =	simm.s32 @!p0 $0x1BF5;
	p2 =	por !p2, p0  }
0x20: {  	[sflag:s8] =	ssyncset.s32 @!p0 $0xFFFFF086;
	s6 =	sadd.s32 @!p0 s3, s7;
	s7 =	simm.s32 @!p0 $0x108  }
0x21: {  	s3 =	sadd.s32 s3, s9;
	s6 =	sadd.s32 @!p0 $0x88, s6;
	s7 =	simm.s32 @p2 $0x1082  }
0x22: {  	[simem:s7], [sflag:s8] =	dma.local @!p0 [hbm:s6], $0xF7A  }
0x23: {  	s9 =	sor.u32 $0xD0000000, s2;
	s6 =	simm.s32 $0x108;
	_ =	swait.ge @!p0 [sflag:s8], $0x0  }
0x24: {  	s3 =	sadd.s32 $0x88, s3;
	s6 =	simm.s32 @!p1 $0x1082;
	[sflag:s4] =	ssyncset.s32 $0xFFFFF086  }
0x25: {  	[simem:s6], [sflag:s4] =	dma.local [hbm:s3], $0xF7A  }
0x26: {  	[smem:$0x3F97] =	sst s1;
	(tag) =	ssettag s2;
	_ =	strace s9  }
0x27: {  	s1 =	sld [smem:$0x3FA7]  }
0x28: {  	s2 =	sld [smem:$0x3FA8]  }
0x29: {  	s4 =	sld [smem:$0x3FAA]  }
0x2a: {  	p0 =	seq.s32 s5, $0x0;
	s5 =	sld [smem:$0x3FAB]  }
0x2b: {  	s6 =	sld [smem:$0x3FAC]  }
0x2c: {  	s7 =	sld [smem:$0x3FAD]  }
0x2d: {  	s3 =	simm.s32 $0x108;
	s8 =	sld [smem:$0x3FAE]  }
0x2e: {  	s3 =	simm.s32 @!p0 $0x1082;
	s9 =	sld [smem:$0x3FAF]  }
0x2f: {  	lr =	sadd.s32 s0, s3;
	s0 =	sld [smem:$0x3FA6]  }
0x30: {  	s3 =	sld [smem:$0x3FA9]  }
0x31: {  	[smem:$0x3FB2] =	sst s10  }
0x32: {  	s10 =	sld [smem:$0x3FB0];
	_ =	sdelay $0x3  }
0x33: {  	p0 =	seq.s32 s10, $0x1;
	s10 =	sld [smem:$0x3FB2];
	_ =	sdelay $0x3  }
0x34: {  	[smem:$0x3FB2] =	sst s10  }
0x35: {  	s10 =	sld [smem:$0x3FB1];
	_ =	sdelay $0x3  }
0x36: {  	p1 =	seq.s32 s10, $0x1;
	s10 =	sld [smem:$0x3FB2];
	_ =	sdelay $0x3  }
0x37: {  	[smem:$0x3FB2] =	sst s10  }
0x38: {  	s10 =	sld [smem:$0x3FB3]  }
0x39: {  	_ = 	snop;
	(pc) =	sbr.ind lr, $3  }
0x3a: {  	_ = 	snop  }
0x3b: {  	_ = 	snop  }
0x3c: {  	p2 =	seq.s32 s10, $0x1;
	s10 =	sld [smem:$0x3FB2]  }
0x3d: {  	_ =	shalt  }
0x3e: {  	_ =	shalt  }
0x3f: {  	_ =	shalt  }
0x40: {  	_ =	shalt  }
0x41: {  	_ =	shalt  }
0x42: {  	_ =	shalt  }
0x43: {  	_ =	shalt  }
0x44: {  	_ =	shalt  }
0x45: {  	_ =	shalt  }
0x46: {  	_ =	shalt  }
0x47: {  	_ =	shalt  }
0x48: {  	_ =	shalt  }
0x49: {  	_ =	shalt  }
0x4a: {  	_ =	shalt  }
0x4b: {  	_ =	shalt  }
0x4c: {  	_ =	shalt  }
0x4d: {  	_ =	shalt  }
0x4e: {  	_ =	shalt  }
0x4f: {  	_ =	shalt  }
0x50: {  	_ =	shalt  }
0x51: {  	_ =	shalt  }
0x52: {  	_ =	shalt  }
0x53: {  	_ =	shalt  }
0x54: {  	_ =	shalt  }
0x55: {  	_ =	shalt  }
0x56: {  	_ =	shalt  }
0x57: {  	_ =	shalt  }
0x58: {  	_ =	shalt  }
0x59: {  	_ =	shalt  }
0x5a: {  	_ =	shalt  }
0x5b: {  	_ =	shalt  }
0x5c: {  	_ =	shalt  }
0x5d: {  	_ =	shalt  }
0x5e: {  	_ =	shalt  }
0x5f: {  	_ =	shalt  }
0x60: {  	_ =	shalt  }
0x61: {  	_ =	shalt  }
0x62: {  	_ =	shalt  }
0x63: {  	_ =	shalt  }
0x64: {  	_ =	shalt  }
0x65: {  	_ =	shalt  }
0x66: {  	_ =	shalt  }
0x67: {  	_ =	shalt  }
0x68: {  	_ =	shalt  }
0x69: {  	_ =	shalt  }
0x6a: {  	_ =	shalt  }
0x6b: {  	_ =	shalt  }
0x6c: {  	_ =	shalt  }
0x6d: {  	_ =	shalt  }
0x6e: {  	_ =	shalt  }
0x6f: {  	_ =	shalt  }
0x70: {  	_ =	shalt  }
0x71: {  	_ =	shalt  }
0x72: {  	_ =	shalt  }
0x73: {  	_ =	shalt  }
0x74: {  	_ =	shalt  }
0x75: {  	_ =	shalt  }
0x76: {  	_ =	shalt  }
0x77: {  	_ =	shalt  }
0x78: {  	_ =	shalt  }
0x79: {  	_ =	shalt  }
0x7a: {  	_ =	shalt  }
0x7b: {  	_ =	shalt  }
0x7c: {  	_ =	shalt  }
0x7d: {  	_ =	shalt  }
0x7e: {  	_ =	shalt  }
0x7f: {  	_ =	shalt  }
0x80: {  	_ =	shalt  }
0x81: {  	_ =	shalt  }
0x82: {  	_ =	shalt  }
0x83: {  	_ =	shalt  }
0x84: {  	_ =	shalt  }
0x85: {  	_ =	shalt  }
0x86: {  	_ =	shalt  }
0x87: {  	_ =	shalt  }
.Lfunc_end0:
.L_simem_size_0:
called_computation.2_lowered:
.L_overlay_start_0:
0x88: {  	s0 =	sld [smem:$0x3FD9]  }
0x89: {  	s1 =	sld [smem:$0x3FFE];
	_ =	sdelay $0x3  }
0x8a: {  	s0 =	sadd.s32 s1, s0  }
0x8b: {  	[smem:$0x3FBE] =	sst s0  }
0x8c: {  	_ = 	snop  }
0x8d: {  	s0 =	sld [smem:$0x3FD0];
	(tm) =	ssettm $0x1  }
0x8e: {  	s16 =	sld [smem:$0x3FFB];
	_ =	sdelay $0x3  }
0x8f: {  	_ =	strace s16  }
0x90: {  	s1 =	sld [smem:$0x3FFC];
	_ =	sdelay $0x3  }
0x91: {  	_ =	strace s1  }
0x92: {  	s1 =	sld [smem:$0x3FFD];
	_ =	sdelay $0x3  }
0x93: {  	_ =	strace s1  }
0x94: {  	_ =	strace $0x8FFFFFFF  }
0x95: {  	s17 =	sld [smem:$0x3FDB];
	_ =	sdelay $0x1  }
0x96: {  	s2 =	simm.s32 $_scs_section_size  }
0x97: {  	s3 =	simm.s32 $_size__tile_overlayer_lowered;
	s4 =	simm.s32 $_tile_overlayer_lowered  }
0x98: {  	s20 =	simm.s32 $0x1BFF;
	s19 =	sshll.u32 s4, $0x1;
	s1 =	sadd.s32 s2, s17  }
0x99: {  	s5 =	simm.s32 $0x0;
	s18 =	sshll.u32 s3, $0x1;
	s3 =	sadd.s32 s19, s1  }
0x9a: {  	[timem:s5], [sflag:s20] =	dma.local [hbm:s3], s18  }
0x9b: {  	_ =	swait.ge [sflag:s20], s18  }
0x9c: {  	s2 =	ssub.s32 $0x0, s18;
	[sflag:s20] =	ssyncset.done $0x0  }
0x9d: {  	[sflag:s20] =	ssyncadd.s32 s2;
	_ =	sdelay $0x1  }
0x9e: {  	s21 =	simm.s32 $0x1B8B  }
0x9f: {  	_ =	swait.ge [sflag:s21], $0x1  }
0xa0: {  	[sflag:s21] =	ssyncset.done $0x0  }
0xa1: {  	s23 =	simm.s32 $0x1B8E;
	s22 =	sld [smem:$0x3FFE];
	[sflag:s21] =	ssyncadd.s32 $0xFFFFFFFF  }
0xa2: {  	s24 =	simm.s32 $execute0_lowered;
	[smem:$0x3FD2] =	sst s23  }
0xa3: {  	s3 =	sshll.u32 s24, $0x1;
	_ =	strace $0x8000004C;
	[dreg:$0x1] =	wrdreg $0xFFFFFFFF  }
0xa4: {  	s25 =	simm.s32 $_size_execute0_lowered;
	s1 =	sadd.s32 s1, s3;
	[dreg:$0x0] =	wrdreg $0x0  }
0xa5: {  	s3 =	sshll.u32 s25, $0x1;
	[dreg:$0x2] =	wrdreg s1  }
0xa6: {  	[dreg:$0x3] =	wrdreg s3  }
0xa7: {  	[dreg:$0x4] =	wrdreg $0xC0  }
0xa8: {  	_ =	task [dreg:s5], $0x5FFFF  }
0xa9: {  	[dreg:$0x1] =	wrdreg $0xFFFFFFFF  }
0xaa: {  	[dreg:$0x0] =	wrdreg $0x60  }
0xab: {  	[dreg:$0x2] =	wrdreg s22  }
0xac: {  	[dreg:$0x3] =	wrdreg s0  }
0xad: {  	[dreg:$0x4] =	wrdreg $0x0  }
0xae: {  	[dreg:$0x5] =	wrdreg $0x2800  }
0xaf: {  	[dreg:$0x6] =	wrdreg $0x5000  }
0xb0: {  	[dreg:$0x7] =	wrdreg $0x9  }
0xb1: {  	_ =	task.clear_ibuf [dreg:s5], $0x8FFFF;
	_ =	strace $0x9000004C  }
0xb2: {  	s26 =	simm.s32 $0x9;
	_ =	strace $0x8000004E  }
0xb3: {  	_ =	swait.ge [sflag:s26], $0x1  }
0xb4: {  	[sflag:s26] =	ssyncadd.s32 $0xFFFFFFFF  }
0xb5: {  	_ =	strace $0x9000004E  }
0xb6: {  	_ =	sfence  }
0xb7: {  	s28 =	sld [smem:$0x0];
	_ =	sdelay $0x1  }
0xb8: {  	s29 =	srdreg.scid  }
0xb9: {  	s30 =	sshll.u32 s29, $0xD;
	s31 =	sshrl.u32 s29, $0x2  }
0xba: {  	s2 =	sand.u32 $0x4000, s30;
	s1 =	sand.u32 $0x1, s29;
	s0 =	sadd.s32 s31, s28  }
0xbb: {  	s1 =	sor.u32 s2, s1;
	s0 =	sshll.u32 s0, $0x11  }
0xbc: {  	s0 =	sor.u32 s0, s1  }
0xbd: {  	s0 =	sadd.s32 $0x8F2B, s0  }
0xbe: {  	[sflag:s0] =	ssyncadd.remote.s32 $0x1  }
0xbf: {  	_ =	sfence.sel $0xFFFF  }
0xc0: {  	[dreg:$0x0] =	wrdreg $0xFFFFFFFF;
	(pc) =	sbr.abs _section_cstart, $3  }
0xc1: {  	[dreg:$0x1] =	wrdreg $0xFFFFFFFF  }
0xc2: {  	_ =	task.clear_ibuf [dreg:s5], $0x2FFFF;
	_ =	strace $0x9FFFFFFF  }
0xc3: {  	(tm) =	ssettm $0x7FFFFFFF  }
tec
execute0_lowered:
.L_overlay_start_1:
0x0: {  	(tag) =	ssettag $0x1  }
0x1: {  	s7 =	rddreg [dreg:$0x0]  }
0x2: {  	s11 =	rddreg [dreg:$0x1]  }
0x3: {  	s5 =	rddreg [dreg:$0x2]  }
0x4: {  	s8 =	rddreg [dreg:$0x3];
	s1 =	stileid.u32  }
0x5: {  	s4 =	rddreg [dreg:$0x4];
	s6 =	smul.u32 $0x280, s1  }
0x6: {  	s0 =	rddreg [dreg:$0x5];
	s12 =	simm.s32 $0x0  }
0x7: {  	[smem:$0x7FF] =	sst s12;
	s9 =	sshll.u32 s1, $0x6;
	s2 =	sshrl.u32 s6, $0x3  }
0x8: {  	_ =	strace $0x8000004D;
	s3 =	sadd.s32 s6, s5;
	s13 =	sadd.s32 s2, s7  }
0x9: {  	s14 =	sor.u32 $0x1C01, s9;
	s19 =	sshrl.u32 s3, $0x3;
	s10 =	sadd.s32 $0x16400, s13  }
0xa: {  	[spmem:s19], [sflag:s14] =	dma.local [hbm:s10], $0x50  }
0xb: {  	s10 =	simm.s32 $0x1  }
0xc: {  	_ =	swait.ge [sflag:s10], $0x50  }
0xd: {  	s9 =	sadd.s32 s6, s8;
	[sflag:s10] =	ssyncset.done $0x0  }
0xe: {  	s16 =	sshrl.u32 s9, $0x3;
	s15 =	sadd.s32 $0xB600, s13;
	[sflag:s10] =	ssyncadd.s32 $0xFFFFFFB0  }
0xf: {  	[spmem:s16], [sflag:s14] =	dma.local [hbm:s15], $0x50  }
0x10: {  	_ =	swait.ge [sflag:s10], $0x50  }
0x11: {  	s6 =	sadd.s32 s6, s4;
	[sflag:s10] =	ssyncset.done $0x0  }
0x12: {  	s20 =	smul.u32 $0xA00, s1;
	s17 =	sshrl.u32 s6, $0x3;
	[sflag:s10] =	ssyncadd.s32 $0xFFFFFFB0  }
0x13: {  	[spmem:s17], [sflag:s14] =	dma.local [hbm:s15], $0x50  }
0x14: {  	_ =	swait.ge [sflag:s10], $0x50  }
0x15: {  	s21 =	sadd.s32 s20, s7;
	[sflag:s10] =	ssyncset.done $0x0  }
0x16: {  	s23 =	simm.s32 $0x780;
	s22 =	sadd.s32 $0xC200, s21;
	[sflag:s10] =	ssyncadd.s32 $0xFFFFFFB0  }
0x17: {  	[tilespmem:s23], [sflag:$0x1] =	stream.linear.gather [hbm4b:s22+s12], $0x5000, $0x38;
	[tilespmem:$0xB080] =	vst v63  }
0x18: {  	_ =	swait.ge [sflag:s10], $0x5000  }
0x19: {  	[sflag:s10] =	ssyncset.done $0x0  }
0x1a: {  	s24 =	simm.s32 $0x5780;
	s14 =	sadd.s32 $0x1600, s21;
	[sflag:s10] =	ssyncadd.s32 $0xFFFFB000  }
0x1b: {  	[tilespmem:s24], [sflag:$0x1] =	stream.linear.gather [hbm4b:s14+s12], $0x5000, $0x38;
	[tilespmem:$0xB080] =	vst v63  }
0x1c: {  	_ =	swait.ge [sflag:s10], $0x5000  }
0x1d: {  	[sflag:s10] =	ssyncset.done $0x0  }
0x1e: {  	s25 =	simm.s32 $0xAD00;
	s13 =	sadd.s32 $0xBC00, s13;
	[sflag:s10] =	ssyncadd.s32 $0xFFFFB000  }
0x1f: {  	[tilespmem:s25], [sflag:$0x1] =	stream.linear.gather [hbm4b:s13+s12], $0x280, $0x38;
	[tilespmem:$0xB080] =	vst v63  }
0x20: {  	_ =	swait.ge [sflag:s10], $0x280  }
0x21: {  	[sflag:s10] =	ssyncset.done $0x0  }
0x22: {  	s28 =	simm.s32 $0xAF80;
	s26 =	sadd.s32 $0x16200, s7;
	[sflag:s10] =	ssyncadd.s32 $0xFFFFFD80  }
0x23: {  	[tilespmem:s28], [sflag:$0x1] =	stream.linear.gather [hbm4b:s26+s12], $0x80, $0x38;
	[tilespmem:$0xB080] =	vst v63  }
0x24: {  	_ =	swait.ge [sflag:s10], $0x80  }
0x25: {  	[sflag:s10] =	ssyncset.done $0x0  }
0x26: {  	s29 =	simm.s32 $0xB000;
	[sflag:s10] =	ssyncadd.s32 $0xFFFFFF80  }
0x27: {  	[tilespmem:s29], [sflag:$0x1] =	stream.linear.gather [hbm4b:s11+s12], $0x80, $0x38;
	[tilespmem:$0xB080] =	vst v63  }
0x28: {  	_ =	swait.ge [sflag:s10], $0x80  }
0x29: {  	[sflag:s10] =	ssyncset.done $0x0  }
0x2a: {  	s30 =	simm.s32 $0x780;
	[sflag:s10] =	ssyncadd.s32 $0xFFFFFF80  }
0x2b: {  	s11 =	simm.s32 $0x80;
	s12 =	simm.s32 $0xA780;
	[bflag:$0x0] =	sbarrier.arrive $0xFFFF  }
0x2c: {  	[tilespmem:s12], [sflag:$0x1] =	stream.indirect.gather [spmem:s5], $0x1, s30, s11, $0xb8;
	[tilespmem:$0xB080] =	vst v63  }
0x2d: {  	_ =	swait.ge [sflag:s10], $0x80  }
0x2e: {  	[sflag:s10] =	ssyncset.done $0x0  }
0x2f: {  	s31 =	simm.s32 $0x5780;
	[sflag:s10] =	ssyncadd.s32 $0xFFFFFF80  }
0x30: {  	[spmem:s8] =	stream.indirect.scatter.add.f32 [tilespmem:s12], [sflag:$0x1], $0x1, s31, s11, $0xb8;
	[tilespmem:$0xB080] =	vst v63  }
0x31: {  	s7 =	sadd.s32 $0x16A00, s7;
	_ =	swait.ge [sflag:s10], $0x80  }
0x32: {  	s14 =	simm.s32 $0x400;
	s13 =	simm.s32 $0x80;
	[sflag:s10] =	ssyncset.done $0x0  }
.LBB2_1:
0x33: {  	s15 =	sadd.s32 $0x780, s13  }
0x34: {  	[sflag:s10] =	ssyncadd.s32 $0xFFFFFF80;
	s16 =	smov.u32 s14;
	s17 =	sadd.s32 $0x200, s14  }
0x35: {  	[tilespmem:s12], [sflag:$0x1] =	stream.indirect.gather [spmem:s5], $0x1, s15, s11, $0xb8;
	[tilespmem:$0xB080] =	vst v63  }
0x36: {  	p0 =	sne.s32 s14, $0x13E00;
	_ =	swait.ge [sflag:s10], $0x80  }
.Ltmp0:
0x37: {  	[sflag:s10] =	ssyncset.done $0x0;
	(pc) =	sbr.rel @p0 .LBB2_1-.Ltmp0, $4  }
0x38: {  	s13 =	sadd.s32 $0x5780, s13;
	[sflag:s10] =	ssyncadd.s32 $0xFFFFFF80  }
0x39: {  	[spmem:s8] =	stream.indirect.scatter.add.f32 [tilespmem:s12], [sflag:$0x1], $0x1, s13, s11, $0xb8;
	[tilespmem:$0xB080] =	vst v63  }
0x3a: {  	_ =	swait.ge [sflag:s10], $0x80  }
0x3b: {  	s14 =	smov.u32 s17;
	s13 =	sshra.s32 s16, $0x2;
	[sflag:s10] =	ssyncset.done $0x0  }
0x3c: {  	s14 =	sadd.s32 $0x780, s13;
	[sflag:s10] =	ssyncadd.s32 $0xFFFFFF80  }
0x3d: {  	[tilespmem:s12], [sflag:$0x1] =	stream.indirect.gather [spmem:s5], $0x1, s14, s11, $0xb8;
	[tilespmem:$0xB080] =	vst v63  }
0x3e: {  	_ =	swait.ge [sflag:s10], $0x80  }
0x3f: {  	[sflag:s10] =	ssyncset.done $0x0  }
0x40: {  	s28 =	sadd.s32 $0x5780, s13;
	[sflag:s10] =	ssyncadd.s32 $0xFFFFFF80  }
0x41: {  	[spmem:s8] =	stream.indirect.scatter.add.f32 [tilespmem:s12], [sflag:$0x1], $0x1, s28, s11, $0xb8;
	[tilespmem:$0xB080] =	vst v63  }
0x42: {  	_ =	swait.ge [sflag:s10], $0x80  }
0x43: {  	[sflag:s10] =	ssyncset.done $0x0  }
0x44: {  	[sflag:s10] =	ssyncadd.s32 $0xFFFFFF80  }
0x45: {  	s29 =	simm.s32 $0xA800;
	s30 =	simm.s32 $0x1;
	[bflag:$0x0] =	sbarrier.arrive $0xFFFF  }
0x46: {  	[tilespmem:s29], [sflag:$0x1] =	stream.linear.gather [spmem:s9], $0x280, $0x38;
	[tilespmem:$0xB080] =	vst v63  }
0x47: {  	_ =	swait.ge [sflag:s30], $0x280  }
0x48: {  	[sflag:s30] =	ssyncset.done $0x0  }
0x49: {  	s31 =	simm.s32 $0xAA80;
	[sflag:s30] =	ssyncadd.s32 $0xFFFFFD80  }
0x4a: {  	[tilespmem:s31], [sflag:$0x1] =	stream.linear.gather [spmem:s3], $0x280, $0x38;
	[tilespmem:$0xB080] =	vst v63  }
0x4b: {  	_ =	swait.ge [sflag:s30], $0x280  }
0x4c: {  	[sflag:s30] =	ssyncset.done $0x0  }
0x4d: {  	s8 =	simm.s32 $0x0;
	[sflag:s30] =	ssyncadd.s32 $0xFFFFFD80  }
0x4e: {  	s9 =	simm.s32 $0x40;
	v0 =	vld [tilespmem:s8+$0xAA80]  }
.LBB2_3:
0x4f: {  	p0 =	sne.s32 s9, $0x9C0;
	v1 =	vld [tilespmem:s8+$0xA800];
	_ =	sdelay $0x1  }
0x50: {  	v2 =	vld [tilespmem:s8+$0xAD00];
	_ =	sdelay $0x1  }
0x51: {  	v3 =	vld [tilespmem:$0xAF80]  }
0x52: {  	v0 =	vadd.f32 v0, v1;
	_ =	sdelay $0x1  }
0x53: {  	v0 =	vmul.f32 v0, v2;
	_ =	sdelay $0x1  }
.Ltmp1:
0x54: {  	v0 =	vadd.f32 v0, v3;
	(pc) =	sbr.rel @p0 .LBB2_3-.Ltmp1, $4  }
0x55: {  	_ = 	snop  }
0x56: {  	v1 =	vmul.f32 v0, v2  }
0x57: {  	s10 =	sshra.s32 s9, $0x2  }
0x58: {  	s9 =	sadd.s32 $0x40, s9;
	v0 =	vld [tilespmem:s10+$0xAA80];
	[tilespmem:s8+$0xA800] =	vst v1;
	s8 =	smov.u32 s10  }
0x59: {  	v1 =	vld [tilespmem:s8+$0xA800];
	_ =	sdelay $0x1  }
0x5a: {  	v2 =	vld [tilespmem:s8+$0xAD00];
	_ =	sdelay $0x1  }
0x5b: {  	v3 =	vld [tilespmem:$0xAF80]  }
0x5c: {  	v0 =	vadd.f32 v0, v1;
	_ =	sdelay $0x1  }
0x5d: {  	v0 =	vmul.f32 v0, v2;
	_ =	sdelay $0x1  }
0x5e: {  	v0 =	vadd.f32 v0, v3;
	_ =	sdelay $0x1  }
0x5f: {  	v0 =	vmul.f32 v0, v2;
	_ =	sdelay $0x1  }
0x60: {  	[tilespmem:s8+$0xA800] =	vst v0  }
0x61: {  	s30 =	simm.s32 $0xA800;
	s8 =	simm.s32 $0x1;
	[bflag:$0x0] =	sbarrier.arrive $0xFFFF  }
0x62: {  	[spmem:s3] =	stream.linear.scatter [tilespmem:s30], [sflag:$0x1], $0x280, $0x38;
	[tilespmem:$0xB080] =	vst v63  }
0x63: {  	_ =	swait.ge [sflag:s8], $0x280  }
0x64: {  	[sflag:s8] =	ssyncset.done $0x0  }
0x65: {  	s9 =	simm.s32 $0x80;
	[sflag:s8] =	ssyncadd.s32 $0xFFFFFD80  }
0x66: {  	s10 =	simm.s32 $0xA780;
	s11 =	simm.s32 $0x780;
	[bflag:$0x0] =	sbarrier.arrive $0xFFFF  }
0x67: {  	[tilespmem:s10], [sflag:$0x1] =	stream.indirect.gather [spmem:s5], $0x1, s11, s9, $0xb8;
	[tilespmem:$0xB080] =	vst v63  }
0x68: {  	_ =	swait.ge [sflag:s8], $0x80  }
0x69: {  	[sflag:s8] =	ssyncset.done $0x0  }
0x6a: {  	s31 =	simm.s32 $0x5780;
	[sflag:s8] =	ssyncadd.s32 $0xFFFFFF80  }
0x6b: {  	[spmem:s4] =	stream.indirect.scatter.add.f32 [tilespmem:s10], [sflag:$0x1], $0x1, s31, s9, $0xb8;
	[tilespmem:$0xB080] =	vst v63  }
0x6c: {  	_ =	swait.ge [sflag:s8], $0x80  }
0x6d: {  	s12 =	simm.s32 $0x400;
	s11 =	simm.s32 $0x80;
	[sflag:s8] =	ssyncset.done $0x0  }
.LBB2_5:
0x6e: {  	s13 =	sadd.s32 $0x780, s11  }
0x6f: {  	[sflag:s8] =	ssyncadd.s32 $0xFFFFFF80;
	s14 =	smov.u32 s12;
	s15 =	sadd.s32 $0x200, s12  }
0x70: {  	[tilespmem:s10], [sflag:$0x1] =	stream.indirect.gather [spmem:s5], $0x1, s13, s9, $0xb8;
	[tilespmem:$0xB080] =	vst v63  }
0x71: {  	p0 =	sne.s32 s12, $0x13E00;
	_ =	swait.ge [sflag:s8], $0x80  }
.Ltmp2:
0x72: {  	[sflag:s8] =	ssyncset.done $0x0;
	(pc) =	sbr.rel @p0 .LBB2_5-.Ltmp2, $4  }
0x73: {  	s11 =	sadd.s32 $0x5780, s11;
	[sflag:s8] =	ssyncadd.s32 $0xFFFFFF80  }
0x74: {  	[spmem:s4] =	stream.indirect.scatter.add.f32 [tilespmem:s10], [sflag:$0x1], $0x1, s11, s9, $0xb8;
	[tilespmem:$0xB080] =	vst v63  }
0x75: {  	_ =	swait.ge [sflag:s8], $0x80  }
0x76: {  	s12 =	smov.u32 s15;
	s11 =	sshra.s32 s14, $0x2;
	[sflag:s8] =	ssyncset.done $0x0  }
0x77: {  	s12 =	sadd.s32 $0x780, s11;
	[sflag:s8] =	ssyncadd.s32 $0xFFFFFF80  }
0x78: {  	[tilespmem:s10], [sflag:$0x1] =	stream.indirect.gather [spmem:s5], $0x1, s12, s9, $0xb8;
	[tilespmem:$0xB080] =	vst v63  }
0x79: {  	_ =	swait.ge [sflag:s8], $0x80  }
0x7a: {  	[sflag:s8] =	ssyncset.done $0x0  }
0x7b: {  	s28 =	sadd.s32 $0x5780, s11;
	[sflag:s8] =	ssyncadd.s32 $0xFFFFFF80  }
0x7c: {  	[spmem:s4] =	stream.indirect.scatter.add.f32 [tilespmem:s10], [sflag:$0x1], $0x1, s28, s9, $0xb8;
	[tilespmem:$0xB080] =	vst v63  }
0x7d: {  	_ =	swait.ge [sflag:s8], $0x80  }
0x7e: {  	[sflag:s8] =	ssyncset.done $0x0  }
0x7f: {  	[sflag:s8] =	ssyncadd.s32 $0xFFFFFF80  }
0x80: {  	s29 =	simm.s32 $0xA800;
	s30 =	simm.s32 $0x1;
	[bflag:$0x0] =	sbarrier.arrive $0xFFFF  }
0x81: {  	[tilespmem:s29], [sflag:$0x1] =	stream.linear.gather [spmem:s6], $0x280, $0x38;
	[tilespmem:$0xB080] =	vst v63  }
0x82: {  	_ =	swait.ge [sflag:s30], $0x280  }
0x83: {  	[sflag:s30] =	ssyncset.done $0x0  }
0x84: {  	s31 =	simm.s32 $0xAA80;
	[sflag:s30] =	ssyncadd.s32 $0xFFFFFD80  }
0x85: {  	[tilespmem:s31], [sflag:$0x1] =	stream.linear.gather [spmem:s3], $0x280, $0x38;
	[tilespmem:$0xB080] =	vst v63  }
0x86: {  	_ =	swait.ge [sflag:s30], $0x280  }
0x87: {  	[sflag:s30] =	ssyncset.done $0x0  }
0x88: {  	s3 =	simm.s32 $0x0;
	[sflag:s30] =	ssyncadd.s32 $0xFFFFFD80  }
0x89: {  	s4 =	simm.s32 $0x40;
	v0 =	vld [tilespmem:s3+$0xA800]  }
.LBB2_7:
0x8a: {  	p0 =	sne.s32 s4, $0x9C0;
	v1 =	vld [tilespmem:s3+$0xAA80];
	_ =	sdelay $0x1  }
0x8b: {  	v2 =	vld [tilespmem:s3+$0xAD00];
	_ =	sdelay $0x1  }
0x8c: {  	v3 =	vld [tilespmem:$0xB000]  }
0x8d: {  	v0 =	vadd.f32 v1, v0;
	_ =	sdelay $0x1  }
.Ltmp3:
0x8e: {  	v0 =	vmul.f32 v2, v0;
	(pc) =	sbr.rel @p0 .LBB2_7-.Ltmp3, $4  }
0x8f: {  	_ = 	snop  }
0x90: {  	v1 =	vadd.f32 v3, v0  }
0x91: {  	s5 =	sshra.s32 s4, $0x2  }
0x92: {  	s4 =	sadd.s32 $0x40, s4;
	v0 =	vld [tilespmem:s5+$0xA800];
	[tilespmem:s3+$0xAA80] =	vst v1;
	s3 =	smov.u32 s5  }
0x93: {  	v1 =	vld [tilespmem:s3+$0xAA80];
	_ =	sdelay $0x1  }
0x94: {  	v2 =	vld [tilespmem:s3+$0xAD00];
	_ =	sdelay $0x1  }
0x95: {  	v3 =	vld [tilespmem:$0xB000]  }
0x96: {  	v0 =	vadd.f32 v1, v0;
	_ =	sdelay $0x1  }
0x97: {  	v0 =	vmul.f32 v2, v0;
	_ =	sdelay $0x1  }
0x98: {  	v0 =	vadd.f32 v3, v0  }
0x99: {  	s2 =	sadd.s32 s7, s2  }
0x9a: {  	s30 =	simm.s32 $0x0;
	s4 =	simm.s32 $0xAA80;
	s31 =	simm.s32 $0x1;
	[tilespmem:s3+$0xAA80] =	vst v0  }
0x9b: {  	[hbm4b:s2+s30] =	stream.linear.scatter [tilespmem:s4], [sflag:$0x1], $0x280, $0x38;
	[tilespmem:$0xB080] =	vst v63  }
0x9c: {  	_ =	swait.ge [sflag:s31], $0x280  }
0x9d: {  	[sflag:s31] =	ssyncset.done $0x0  }
0x9e: {  	[sflag:s31] =	ssyncadd.s32 $0xFFFFFD80  }
0x9f: {  	_ =	sfence.sel $0x180000  }
0xa0: {  	[bflag:$0x0] =	sbarrier.arrive $0xFFFF  }
0xa1: {  	p0 =	sne.s32 s1, $0x0;
	_ =	strace $0x9000004D  }
0xa2: {  	s0 =	sadd.s32 @!p0 $0x100000, s0;
	[bflag:$0x2] =	sbarrier.arrive $0xFFFF  }
0xa3: {  	[sflag:s0] =	ssyncadd.tile.s32 @!p0 $0x1;
	_ =	shalt  }
.Lfunc_end2:
_tile_overlayer_lowered:
.L_overlay_start_2:
0xa4: {  	(tag) =	ssettag $0x2  }
0xa5: {  	s0 =	rddreg [dreg:$0x0];
	s2 =	stileid.u32  }
0xa6: {  	s1 =	rddreg [dreg:$0x1];
	p0 =	sne.s32 s2, $0x0  }
0xa7: {  	s3 =	rddreg [dreg:$0x2];
	[bflag:$0x3] =	sbarrier.arrive $0xFFFF;
	s2 =	simm.s32 @!p0 $0x1C01  }
0xa8: {  	[timem:s3], [sflag:s2] =	dma.local @!p0 [hbm:s0], s1  }
0xa9: {  	s0 =	simm.s32 @!p0 $0x1  }
0xaa: {  	_ =	swait.ge @!p0 [sflag:s0], s1  }
0xab: {  	s1 =	ssub.s32 @!p0 $0x0, s1;
	[sflag:s0] =	ssyncset.done @!p0 $0x0  }
0xac: {  	[sflag:s0] =	ssyncadd.s32 @!p0 s1  }
0xad: {  	[bflag:$0x3] =	sbarrier.arrive $0xFFFF  }
0xae: {  	_ =	shalt  }

// kernel: kernel.7.cloned.1.call-start
scs
__scs_entry_jumppad:
0x0: {  	(pc) =	sbr.rel $0x88, $3  }
0x1: {  	(tag) =	ssettag $0x0;
	lr =	simm.s32 $0x1  }
0x2: {  	[smem:$0x3F97] =	sst lr;
	_ =	strace $0xD0000000  }
0x3: {  	_ = 	snop  }
0x4: {  	_ = 	snop  }
0x5: {  	_ = 	snop  }
0x6: {  	_ = 	snop  }
0x7: {  	_ = 	snop  }
__scs_overlays_trampoline_lowered:
0x8: {  	[smem:$0x3FA6] =	sst s0  }
0x9: {  	[smem:$0x3FA7] =	sst s1  }
0xa: {  	[smem:$0x3FA8] =	sst s2  }
0xb: {  	[smem:$0x3FA9] =	sst s3  }
0xc: {  	[smem:$0x3FAA] =	sst s4  }
0xd: {  	[smem:$0x3FAB] =	sst s5  }
0xe: {  	[smem:$0x3FAC] =	sst s6  }
0xf: {  	[smem:$0x3FAD] =	sst s7  }
0x10: {  	[smem:$0x3FAE] =	sst s8  }
0x11: {  	[smem:$0x3FAF] =	sst s9;
	s0 =	simm.s32 @!p0 $0x0  }
0x12: {  	s1 =	sld [smem:$0x3F95];
	s0 =	simm.s32 @p0 $0x1  }
0x13: {  	[smem:$0x3FB0] =	sst s0;
	s0 =	simm.s32 @!p1 $0x0  }
0x14: {  	s2 =	sld [smem:$0x3F94];
	s0 =	simm.s32 @p1 $0x1  }
0x15: {  	[smem:$0x3FB1] =	sst s0;
	s0 =	simm.s32 @!p2 $0x0  }
0x16: {  	s3 =	sld [smem:$0x3FDB];
	s0 =	simm.s32 @p2 $0x1  }
0x17: {  	s4 =	simm.s32 $0x1BF5;
	[smem:$0x3FB3] =	sst s0  }
0x18: {  	s0 =	sld [smem:$0x3F96];
	_ =	swait.ge [sflag:s4], $0x0  }
0x19: {  	s7 =	sld [smem:$0x3F97]  }
0x1a: {  	s8 =	sadd.s32 $0xFFFFE003, lr  }
0x1b: {  	s9 =	sadd.s32 $0xFFFFFEF7, lr;
	s5 =	simm.s32 $0xFFFFFFFF;
	p2 =	slt.u32 s8, $0xFFFFF086  }
0x1c: {  	p1 =	slt.u32 s9, $0xF7A;
	s5 =	simm.s32 @!p2 $0x0  }
0x1d: {  	s5 =	simm.s32 @p1 $0x1;
	p0 =	seq.s32 s7, s2  }
0x1e: {  	s7 =	smul.u32 @!p0 $0xF7A, s2;
	p2 =	seq.s32 @!p0 s5, $0x0  }
0x1f: {  	s9 =	smul.u32 $0xF7A, s1;
	s8 =	simm.s32 @!p0 $0x1BF5;
	p2 =	por !p2, p0  }
0x20: {  	[sflag:s8] =	ssyncset.s32 @!p0 $0xFFFFF086;
	s6 =	sadd.s32 @!p0 s3, s7;
	s7 =	simm.s32 @!p0 $0x108  }
0x21: {  	s3 =	sadd.s32 s3, s9;
	s6 =	sadd.s32 @!p0 $0x88, s6;
	s7 =	simm.s32 @p2 $0x1082  }
0x22: {  	[simem:s7], [sflag:s8] =	dma.local @!p0 [hbm:s6], $0xF7A  }
0x23: {  	s9 =	sor.u32 $0xD0000000, s2;
	s6 =	simm.s32 $0x108;
	_ =	swait.ge @!p0 [sflag:s8], $0x0  }
0x24: {  	s3 =	sadd.s32 $0x88, s3;
	s6 =	simm.s32 @!p1 $0x1082;
	[sflag:s4] =	ssyncset.s32 $0xFFFFF086  }
0x25: {  	[simem:s6], [sflag:s4] =	dma.local [hbm:s3], $0xF7A  }
0x26: {  	[smem:$0x3F97] =	sst s1;
	(tag) =	ssettag s2;
	_ =	strace s9  }
0x27: {  	s1 =	sld [smem:$0x3FA7]  }
0x28: {  	s2 =	sld [smem:$0x3FA8]  }
0x29: {  	s4 =	sld [smem:$0x3FAA]  }
0x2a: {  	p0 =	seq.s32 s5, $0x0;
	s5 =	sld [smem:$0x3FAB]  }
0x2b: {  	s6 =	sld [smem:$0x3FAC]  }
0x2c: {  	s7 =	sld [smem:$0x3FAD]  }
0x2d: {  	s3 =	simm.s32 $0x108;
	s8 =	sld [smem:$0x3FAE]  }
0x2e: {  	s3 =	simm.s32 @!p0 $0x1082;
	s9 =	sld [smem:$0x3FAF]  }
0x2f: {  	lr =	sadd.s32 s0, s3;
	s0 =	sld [smem:$0x3FA6]  }
0x30: {  	s3 =	sld [smem:$0x3FA9]  }
0x31: {  	[smem:$0x3FB2] =	sst s10  }
0x32: {  	s10 =	sld [smem:$0x3FB0];
	_ =	sdelay $0x3  }
0x33: {  	p0 =	seq.s32 s10, $0x1;
	s10 =	sld [smem:$0x3FB2];
	_ =	sdelay $0x3  }
0x34: {  	[smem:$0x3FB2] =	sst s10  }
0x35: {  	s10 =	sld [smem:$0x3FB1];
	_ =	sdelay $0x3  }
0x36: {  	p1 =	seq.s32 s10, $0x1;
	s10 =	sld [smem:$0x3FB2];
	_ =	sdelay $0x3  }
0x37: {  	[smem:$0x3FB2] =	sst s10  }
0x38: {  	s10 =	sld [smem:$0x3FB3]  }
0x39: {  	_ = 	snop;
	(pc) =	sbr.ind lr, $3  }
0x3a: {  	_ = 	snop  }
0x3b: {  	_ = 	snop  }
0x3c: {  	p2 =	seq.s32 s10, $0x1;
	s10 =	sld [smem:$0x3FB2]  }
0x3d: {  	_ =	shalt  }
0x3e: {  	_ =	shalt  }
0x3f: {  	_ =	shalt  }
0x40: {  	_ =	shalt  }
0x41: {  	_ =	shalt  }
0x42: {  	_ =	shalt  }
0x43: {  	_ =	shalt  }
0x44: {  	_ =	shalt  }
0x45: {  	_ =	shalt  }
0x46: {  	_ =	shalt  }
0x47: {  	_ =	shalt  }
0x48: {  	_ =	shalt  }
0x49: {  	_ =	shalt  }
0x4a: {  	_ =	shalt  }
0x4b: {  	_ =	shalt  }
0x4c: {  	_ =	shalt  }
0x4d: {  	_ =	shalt  }
0x4e: {  	_ =	shalt  }
0x4f: {  	_ =	shalt  }
0x50: {  	_ =	shalt  }
0x51: {  	_ =	shalt  }
0x52: {  	_ =	shalt  }
0x53: {  	_ =	shalt  }
0x54: {  	_ =	shalt  }
0x55: {  	_ =	shalt  }
0x56: {  	_ =	shalt  }
0x57: {  	_ =	shalt  }
0x58: {  	_ =	shalt  }
0x59: {  	_ =	shalt  }
0x5a: {  	_ =	shalt  }
0x5b: {  	_ =	shalt  }
0x5c: {  	_ =	shalt  }
0x5d: {  	_ =	shalt  }
0x5e: {  	_ =	shalt  }
0x5f: {  	_ =	shalt  }
0x60: {  	_ =	shalt  }
0x61: {  	_ =	shalt  }
0x62: {  	_ =	shalt  }
0x63: {  	_ =	shalt  }
0x64: {  	_ =	shalt  }
0x65: {  	_ =	shalt  }
0x66: {  	_ =	shalt  }
0x67: {  	_ =	shalt  }
0x68: {  	_ =	shalt  }
0x69: {  	_ =	shalt  }
0x6a: {  	_ =	shalt  }
0x6b: {  	_ =	shalt  }
0x6c: {  	_ =	shalt  }
0x6d: {  	_ =	shalt  }
0x6e: {  	_ =	shalt  }
0x6f: {  	_ =	shalt  }
0x70: {  	_ =	shalt  }
0x71: {  	_ =	shalt  }
0x72: {  	_ =	shalt  }
0x73: {  	_ =	shalt  }
0x74: {  	_ =	shalt  }
0x75: {  	_ =	shalt  }
0x76: {  	_ =	shalt  }
0x77: {  	_ =	shalt  }
0x78: {  	_ =	shalt  }
0x79: {  	_ =	shalt  }
0x7a: {  	_ =	shalt  }
0x7b: {  	_ =	shalt  }
0x7c: {  	_ =	shalt  }
0x7d: {  	_ =	shalt  }
0x7e: {  	_ =	shalt  }
0x7f: {  	_ =	shalt  }
0x80: {  	_ =	shalt  }
0x81: {  	_ =	shalt  }
0x82: {  	_ =	shalt  }
0x83: {  	_ =	shalt  }
0x84: {  	_ =	shalt  }
0x85: {  	_ =	shalt  }
0x86: {  	_ =	shalt  }
0x87: {  	_ =	shalt  }
.Lfunc_end0:
.L_simem_size_0:
called_computation_lowered:
.L_overlay_start_0:
0x88: {  	s0 =	sld [smem:$0x3FD9]  }
0x89: {  	s1 =	sld [smem:$0x3FFE];
	_ =	sdelay $0x3  }
0x8a: {  	s0 =	sadd.s32 s1, s0  }
0x8b: {  	[smem:$0x3FBE] =	sst s0  }
0x8c: {  	_ = 	snop  }
0x8d: {  	(tm) =	ssettm $0x1  }
0x8e: {  	s15 =	sld [smem:$0x3FFB];
	_ =	sdelay $0x3  }
0x8f: {  	_ =	strace s15  }
0x90: {  	s0 =	sld [smem:$0x3FFC];
	_ =	sdelay $0x3  }
0x91: {  	_ =	strace s0  }
0x92: {  	s0 =	sld [smem:$0x3FFD];
	_ =	sdelay $0x3  }
0x93: {  	_ =	strace s0  }
0x94: {  	_ =	strace $0x8FFFFFFF  }
0x95: {  	s16 =	sld [smem:$0x3FDB];
	_ =	sdelay $0x1  }
0x96: {  	s17 =	simm.s32 $_scs_section_size  }
0x97: {  	s2 =	simm.s32 $_size__tile_overlayer_lowered;
	s3 =	simm.s32 $_tile_overlayer_lowered  }
0x98: {  	s20 =	simm.s32 $0x1BFF;
	s19 =	sshll.u32 s3, $0x1;
	s0 =	sadd.s32 s17, s16  }
0x99: {  	s4 =	simm.s32 $0x0;
	s18 =	sshll.u32 s2, $0x1;
	s2 =	sadd.s32 s19, s0  }
0x9a: {  	[timem:s4], [sflag:s20] =	dma.local [hbm:s2], s18  }
0x9b: {  	_ =	swait.ge [sflag:s20], s18  }
0x9c: {  	s1 =	ssub.s32 $0x0, s18;
	[sflag:s20] =	ssyncset.done $0x0  }
0x9d: {  	[sflag:s20] =	ssyncadd.s32 s1;
	_ =	sdelay $0x1  }
0x9e: {  	s21 =	simm.s32 $0x1B8B  }
0x9f: {  	_ =	swait.ge [sflag:s21], $0x1  }
0xa0: {  	[sflag:s21] =	ssyncset.done $0x0  }
0xa1: {  	s23 =	simm.s32 $0x1B8E;
	s22 =	sld [smem:$0x3FFE];
	[sflag:s21] =	ssyncadd.s32 $0xFFFFFFFF  }
0xa2: {  	s24 =	simm.s32 $execute0_lowered;
	[smem:$0x3FD2] =	sst s23  }
0xa3: {  	s2 =	sshll.u32 s24, $0x1;
	_ =	strace $0x80000046;
	[dreg:$0x1] =	wrdreg $0xFFFFFFFF  }
0xa4: {  	s25 =	simm.s32 $_size_execute0_lowered;
	s0 =	sadd.s32 s0, s2;
	[dreg:$0x0] =	wrdreg $0x0  }
0xa5: {  	s2 =	sshll.u32 s25, $0x1;
	[dreg:$0x2] =	wrdreg s0  }
0xa6: {  	[dreg:$0x3] =	wrdreg s2  }
0xa7: {  	[dreg:$0x4] =	wrdreg $0xC0  }
0xa8: {  	_ =	task [dreg:s4], $0x5FFFF  }
0xa9: {  	[dreg:$0x1] =	wrdreg $0xFFFFFFFF  }
0xaa: {  	[dreg:$0x0] =	wrdreg $0x60  }
0xab: {  	[dreg:$0x2] =	wrdreg s22  }
0xac: {  	[dreg:$0x3] =	wrdreg $0x0  }
0xad: {  	[dreg:$0x4] =	wrdreg $0x9  }
0xae: {  	_ =	task.clear_ibuf [dreg:s4], $0x5FFFF;
	_ =	strace $0x90000046  }
0xaf: {  	s26 =	simm.s32 $0x9;
	_ =	strace $0x80000048  }
0xb0: {  	_ =	swait.ge [sflag:s26], $0x1  }
0xb1: {  	[sflag:s26] =	ssyncadd.s32 $0xFFFFFFFF  }
0xb2: {  	_ =	strace $0x90000048  }
0xb3: {  	_ =	sfence  }
0xb4: {  	s28 =	sld [smem:$0x0];
	_ =	sdelay $0x1  }
0xb5: {  	s29 =	srdreg.scid  }
0xb6: {  	s30 =	sshll.u32 s29, $0xD;
	s31 =	sshrl.u32 s29, $0x2  }
0xb7: {  	s1 =	sand.u32 $0x1, s29;
	s2 =	sand.u32 $0x4000, s30;
	s0 =	sadd.s32 s31, s28  }
0xb8: {  	s1 =	sor.u32 s2, s1;
	s0 =	sshll.u32 s0, $0x11  }
0xb9: {  	s0 =	sor.u32 s0, s1  }
0xba: {  	s0 =	sadd.s32 $0x8F2B, s0  }
0xbb: {  	[sflag:s0] =	ssyncadd.remote.s32 $0x1  }
0xbc: {  	_ =	sfence.sel $0xFFFF  }
0xbd: {  	[dreg:$0x0] =	wrdreg $0xFFFFFFFF;
	(pc) =	sbr.abs _section_cstart, $3  }
0xbe: {  	[dreg:$0x1] =	wrdreg $0xFFFFFFFF  }
0xbf: {  	_ =	task.clear_ibuf [dreg:s4], $0x2FFFF;
	_ =	strace $0x9FFFFFFF  }
0xc0: {  	(tm) =	ssettm $0x7FFFFFFF  }
0xc1: {  	_ =	shalt  }
tec
execute0_lowered:
.L_overlay_start_1:
0x0: {  	(tag) =	ssettag $0x1  }
0x1: {  	s8 =	rddreg [dreg:$0x0]  }
0x2: {  	s2 =	rddreg [dreg:$0x1];
	s1 =	stileid.u32  }
0x3: {  	s0 =	rddreg [dreg:$0x2];
	s7 =	simm.s32 $0x0;
	s4 =	smul.u32 $0x280, s1  }
0x4: {  	[smem:$0x7FF] =	sst s7;
	s29 =	sshll.u32 s1, $0x6  }
0x5: {  	s30 =	smul.u32 $0xA00, s1;
	_ =	strace $0x80000047;
	s3 =	sshrl.u32 s4, $0x3  }
0x6: {  	s6 =	sadd.s32 s4, s2;
	s4 =	sor.u32 $0x1C01, s29;
	s5 =	sadd.s32 s3, s8  }
0x7: {  	s9 =	sadd.s32 $0xB600, s5;
	s5 =	sshrl.u32 s6, $0x3;
	s6 =	simm.s32 $0x1  }
0x8: {  	[spmem:s5], [sflag:s4] =	dma.local [hbm:s9], $0x50  }
0x9: {  	_ =	swait.ge [sflag:s6], $0x50  }
0xa: {  	s9 =	sadd.s32 s30, s8;
	[sflag:s6] =	ssyncset.done $0x0  }
0xb: {  	s10 =	simm.s32 $0x280;
	s9 =	sadd.s32 $0x1600, s9;
	[sflag:s6] =	ssyncadd.s32 $0xFFFFFFB0  }
0xc: {  	[tilespmem:s10], [sflag:$0x1] =	stream.linear.gather [hbm4b:s9+s7], $0x5000, $0x38;
	[tilespmem:$0x5300] =	vst v63  }
0xd: {  	_ =	swait.ge [sflag:s6], $0x5000  }
0xe: {  	[sflag:s6] =	ssyncset.done $0x0  }
0xf: {  	v0 =	vimm.f32 $1.000000000e+00;
	[sflag:s6] =	ssyncadd.s32 $0xFFFFB000  }
0x10: {  	[tilespmem:$0x5280] =	vst v0  }
0x11: {  	[tilespmem:$0x5290] =	vst v0  }
0x12: {  	[tilespmem:$0x52A0] =	vst v0  }
0x13: {  	[tilespmem:$0x52B0] =	vst v0  }
0x14: {  	[tilespmem:$0x52C0] =	vst v0  }
0x15: {  	[tilespmem:$0x52D0] =	vst v0  }
0x16: {  	[tilespmem:$0x52E0] =	vst v0  }
0x17: {  	s31 =	simm.s32 $0x280;
	[tilespmem:$0x52F0] =	vst v0  }
0x18: {  	s7 =	simm.s32 $0x80;
	s9 =	simm.s32 $0x5280;
	[bflag:$0x0] =	sbarrier.arrive $0xFFFF  }
0x19: {  	[spmem:s2] =	stream.indirect.scatter.add.f32 [tilespmem:s9], [sflag:$0x1], $0x1, s31, s7, $0xb8;
	[tilespmem:$0x5300] =	vst v63  }
0x1a: {  	s8 =	sadd.s32 $0xBC00, s8;
	s10 =	simm.s32 $0x200;
	_ =	swait.ge [sflag:s6], $0x80  }
.LBB2_1:
0x1b: {  	s11 =	sshra.s32 s10, $0x2;
	[sflag:s6] =	ssyncset.done $0x0;
	p0 =	sne.s32 s10, $0x13E00  }
.Ltmp0:
0x1c: {  	s11 =	sadd.s32 $0x280, s11;
	[sflag:s6] =	ssyncadd.s32 $0xFFFFFF80;
	(pc) =	sbr.rel @p0 .LBB2_1-.Ltmp0, $3  }
0x1d: {  	[spmem:s2] =	stream.indirect.scatter.add.f32 [tilespmem:s9], [sflag:$0x1], $0x1, s11, s7, $0xb8;
	[tilespmem:$0x5300] =	vst v63  }
0x1e: {  	s10 =	sadd.s32 $0x200, s10;
	_ =	sdelay $0x1  }
0x1f: {  	_ =	swait.ge [sflag:s6], $0x80  }
0x20: {  	[sflag:s6] =	ssyncset.done $0x0  }
0x21: {  	[sflag:s6] =	ssyncadd.s32 $0xFFFFFF80  }
0x22: {  	s2 =	sadd.s32 s8, s3;
	s31 =	simm.s32 $0x1;
	[bflag:$0x0] =	sbarrier.arrive $0xFFFF  }
0x23: {  	[hbm:s2], [sflag:s4] =	dma.local [spmem:s5], $0x50  }
0x24: {  	_ =	swait.ge [sflag:s31], $0x50  }
0x25: {  	[sflag:s31] =	ssyncset.done $0x0  }
0x26: {  	[sflag:s31] =	ssyncadd.s32 $0xFFFFFFB0  }
0x27: {  	_ =	sfence.sel $0x180000  }
0x28: {  	[bflag:$0x0] =	sbarrier.arrive $0xFFFF  }
0x29: {  	p0 =	sne.s32 s1, $0x0;
	_ =	strace $0x90000047  }
0x2a: {  	s0 =	sadd.s32 @!p0 $0x100000, s0;
	[bflag:$0x2] =	sbarrier.arrive $0xFFFF  }
0x2b: {  	[sflag:s0] =	ssyncadd.tile.s32 @!p0 $0x1;
	_ =	shalt  }
.Lfunc_end2:
_tile_overlayer_lowered:
.L_overlay_start_2:
0x2c: {  	(tag) =	ssettag $0x2  }
0x2d: {  	s0 =	rddreg [dreg:$0x0];
	s2 =	stileid.u32  }
0x2e: {  	s1 =	rddreg [dreg:$0x1];
	p0 =	sne.s32 s2, $0x0  }
0x2f: {  	s3 =	rddreg [dreg:$0x2];
	[bflag:$0x3] =	sbarrier.arrive $0xFFFF;
	s2 =	simm.s32 @!p0 $0x1C01  }
0x30: {  	[timem:s3], [sflag:s2] =	dma.local @!p0 [hbm:s0], s1  }
0x31: {  	s0 =	simm.s32 @!p0 $0x1  }
0x32: {  	_ =	swait.ge @!p0 [sflag:s0], s1  }
0x33: {  	s1 =	ssub.s32 @!p0 $0x0, s1;
	[sflag:s0] =	ssyncset.done @!p0 $0x0  }
0x34: {  	[sflag:s0] =	ssyncadd.s32 @!p0 s1  }
0x35: {  	[bflag:$0x3] =	sbarrier.arrive $0xFFFF  }
0x36: {  	_ =	shalt  }

</sc_bundles>
